<compile_context>
chip_gen: v7x
topology: tpu7x:2x2x1
jax: 0.10.2.dev20260603
libtpu: 0.0.44.dev20260713+nightly
codegen_flags: <defaults>
</compile_context>

<pallas_src>
import jax
import jax.numpy as jnp
from jax.experimental import pallas as pl
from jax.experimental.pallas import tpu as pltpu

VOCAB = 32000
D = 1024
MAXP = 16
TEMP = 1.0
NB = 3200
B = 128
K = 250
J = 128
KP = 256


def _h_kernel(a_ref, wh_ref, o_ref):
    o_ref[...] = jnp.tanh(jnp.dot(a_ref[...], wh_ref[...],
                                  preferred_element_type=jnp.float32))


def _logits_kernel(h_ref, w_ref, o_ref):
    o_ref[...] = jnp.dot(h_ref[...], w_ref[...],
                         preferred_element_type=jnp.float32)


def _pallas_h(a, W_h):
    return pl.pallas_call(
        _h_kernel,
        out_shape=jax.ShapeDtypeStruct((B, D), jnp.float32),
    )(a, W_h)


def _pallas_logits(h, W_out):
    return pl.pallas_call(
        _logits_kernel,
        grid=(VOCAB // NB,),
        in_specs=[pl.BlockSpec((B, D), lambda i: (0, 0)),
                  pl.BlockSpec((D, NB), lambda i: (0, i))],
        out_specs=pl.BlockSpec((B, NB), lambda i: (0, i)),
        out_shape=jax.ShapeDtypeStruct((B, VOCAB), jnp.float32),
    )(h, W_out)


def _sample_kernel(t_ref, u_ref, tok_ref, q_ref, pt_ref, tot_ref):
    q_ref[...] = t_ref[...]

    def scan_body(j, _):
        q_ref[pl.ds(j, 1)] = q_ref[pl.ds(j, 1)] + q_ref[pl.ds(j - 1, 1)]
        return 0
    jax.lax.fori_loop(1, J, scan_body, 0, unroll=False)

    tot_ref[...] = q_ref[J - 1]

    carry = jnp.zeros((B, 1), jnp.float32)
    for k in range(128):
        pt_ref[:, k:k + 1] = carry
        carry = carry + tot_ref[:, k:k + 1]
    base = carry
    S = jnp.zeros((B, 1), jnp.float32)
    for k in range(128, K):
        pt_ref[:, k:k + 1] = S + base
        S = S + tot_ref[:, k:k + 1]
    pt_ref[:, K:] = jnp.full((B, KP - K), jnp.inf, jnp.float32)

    u = u_ref[...]
    P = pt_ref[...]

    def cbody(j, acc):
        cs = q_ref[pl.ds(j, 1)][0] + P
        return acc + (cs < u).astype(jnp.int32)
    acc = jax.lax.fori_loop(0, J, cbody, jnp.zeros((B, KP), jnp.int32),
                            unroll=False)
    cnt = jnp.sum(acc, axis=1, keepdims=True)
    tok_ref[...] = jnp.clip(cnt, 0, VOCAB - 1)


def _pallas_sample(p, u):
    t = jnp.transpose(p.reshape(B, K, J), (2, 0, 1))
    t = jnp.pad(t, ((0, 0), (0, 0), (0, KP - K)))
    return pl.pallas_call(
        _sample_kernel,
        out_shape=jax.ShapeDtypeStruct((B, 1), jnp.int32),
        scratch_shapes=[pltpu.VMEM((J, B, KP), jnp.float32),
                        pltpu.VMEM((B, KP), jnp.float32),
                        pltpu.VMEM((B, KP), jnp.float32)],
    )(t, u)


def kernel(X, E, W_h, W_out, rand_u):
    Bn = X.shape[0]
    ctx = jnp.mean(jnp.take(E, X, axis=0), axis=1)
    Y = jnp.ones((Bn, 1), dtype=jnp.int32)
    log_probabilities = jnp.zeros((Bn,), dtype=jnp.float32)
    for i in range(MAXP):
        a = jnp.take(E, Y[:, -1], axis=0) + ctx
        h = _pallas_h(a, W_h)
        x = _pallas_logits(h, W_out) / TEMP
        next_probabilities = jax.nn.softmax(x, axis=1)
        next_chars = _pallas_sample(next_probabilities, rand_u[i])
        m = jax.lax.stop_gradient(jnp.max(x, axis=1, keepdims=True))
        s = jnp.sum(jnp.exp(x - m), axis=1, keepdims=True)
        lp_val = (jnp.take_along_axis(x, next_chars, axis=1) - m) - jnp.log(s)
        log_probabilities = log_probabilities + lp_val[:, 0]
        Y = jnp.concatenate([Y, next_chars], axis=1)
    return Y, log_probabilities

# --- scband reference (transcript-rebuilt; emitter-appended) ---
"""Pipeline reference for scband-seq2-seq-3435973836930 (READ-ONLY COPY).

The authoritative reference and input builder live on the scoring server;
editing this copy changes nothing except your own understanding.
"""

import jax, jax.numpy as jnp
import numpy as np

VOCAB = 32000
D = 1024
B = 128
SX = 16
MAXP = 16
TEMP = 1.0


def setup_inputs(seed: int = 0) -> dict:
    key = jax.random.key(seed)
    k1, k2, k3, k4, k5 = jax.random.split(key, 5)
    X = jax.random.randint(k1, (B, SX), 0, VOCAB, dtype=jnp.int32)
    E = jax.random.normal(k2, (VOCAB, D), dtype=jnp.float32) * 0.02
    W_h = jax.random.normal(k3, (D, D), dtype=jnp.float32) * 0.02
    W_out = jax.random.normal(k4, (D, VOCAB), dtype=jnp.float32) * 0.05
    rand_u = jax.random.uniform(k5, (MAXP, B, 1), dtype=jnp.float32)
    return {"X": X, "E": E, "W_h": W_h, "W_out": W_out, "rand_u": rand_u}


def _step_logits(X, y_last, E, W_h, W_out):
    # encoder: mean-pooled source embeddings (context)
    ctx = jnp.mean(jnp.take(E, X, axis=0), axis=1)          # [B, D]
    # decoder: last-token embedding + context -> hidden -> logits over vocab
    h = jnp.tanh((jnp.take(E, y_last, axis=0) + ctx) @ W_h)  # [B, D]
    return h @ W_out                                         # [B, V]


def reference(X, E, W_h, W_out, rand_u):
    # Faithful jax translation of Seq2Seq.sample (temperature sampling via
    # cumsum-vs-uniform trick), also accumulating log-probs of sampled tokens.
    Bn = X.shape[0]
    Y = jnp.ones((Bn, 1), dtype=jnp.int32)
    log_probabilities = jnp.zeros((Bn,), dtype=jnp.float32)
    for i in range(MAXP):
        next_log_probabilities = _step_logits(X, Y[:, -1], E, W_h, W_out)  # forward(X, Y)[:, -1]
        next_probabilities = jax.nn.softmax(next_log_probabilities / TEMP, axis=1)
        random = rand_u[i]  # precomputed uniform [B, 1]
        next_chars = jnp.sum(jnp.cumsum(next_probabilities, axis=1) < random,
                             axis=1, keepdims=True).astype(jnp.int32)
        next_chars = jnp.clip(next_chars, 0, VOCAB - 1)
        lp = jax.nn.log_softmax(next_log_probabilities / TEMP, axis=1)
        log_probabilities = log_probabilities + jnp.take_along_axis(lp, next_chars, axis=1)[:, 0]
        Y = jnp.concatenate([Y, next_chars], axis=1)
    return Y, log_probabilities

if __name__ == "__main__":
    import jax
    _d = setup_inputs()
    print(jax.jit(kernel)(*tuple(_d.values())))

</pallas_src>

<mosaic_0001>
module attributes {stable_mosaic.version = 14 : i64} {
  func.func @_h_kernel(%arg0: memref<128x1024xf32, #tpu.memory_space<vmem>>, %arg1: memref<1024x1024xf32, #tpu.memory_space<vmem>>, %arg2: memref<128x1024xf32, #tpu.memory_space<vmem>>) attributes {dimension_semantics = [], scalar_prefetch = 0 : i64, scratch_operands = 0 : i64, tpu.core_type = #tpu.core_type<tc>} {
    %get3A = arith.constant 0 : index
    %get3A_0 = arith.constant 0 : index
    %get3A_1 = vector.load %arg0[%get3A, %get3A_0] : memref<128x1024xf32, #tpu.memory_space<vmem>>, vector<128x1024xf32>
    %get3A_2 = arith.constant 0 : index
    %get3A_3 = arith.constant 0 : index
    %get3A_4 = vector.load %arg1[%get3A_2, %get3A_3] : memref<1024x1024xf32, #tpu.memory_space<vmem>>, vector<1024x1024xf32>
    %dot_general3A = arith.constant dense<0.000000e+00> : vector<128x1024xf32>
    %dot_general3A_5 = tpu.matmul %get3A_1, %get3A_4, %dot_general3A {dimension_numbers = #tpu.dot_dimension_numbers<[1], [0], [0], [1], [0, 0, 1, 1], [], []>, transpose_lhs_hint = false} : vector<128x1024xf32>, vector<1024x1024xf32>, vector<128x1024xf32> -> vector<128x1024xf32>
    %tanh3A = math.tanh %dot_general3A_5 : vector<128x1024xf32>
    %swap3A = arith.constant 0 : index
    %swap3A_6 = arith.constant 0 : index
    %swap3A_7 = vector.load %arg2[%swap3A, %swap3A_6] : memref<128x1024xf32, #tpu.memory_space<vmem>>, vector<128x1024xf32>
    tpu.vector_store %arg2[%swap3A, %swap3A_6], %tanh3A {strides = array<i32>} : memref<128x1024xf32, #tpu.memory_space<vmem>>, vector<128x1024xf32>,
    return
  }
}

module attributes {stable_mosaic.version = 14 : i64} {
  func.func @_logits_kernel(%arg0: i32, %arg1: memref<128x1024xf32, #tpu.memory_space<vmem>>, %arg2: memref<1024x3200xf32, #tpu.memory_space<vmem>>, %arg3: memref<128x3200xf32, #tpu.memory_space<vmem>>) attributes {dimension_semantics = [#tpu.dimension_semantics<arbitrary>], iteration_bounds = array<i64: 10>, scalar_prefetch = 0 : i64, scratch_operands = 0 : i64, tpu.core_type = #tpu.core_type<tc>, window_params = [{pipeline_mode = #tpu.pipeline_mode<synchronous>, transform_indices = @transform_0, window_bounds = array<i64: 128, 1024>}, {transform_indices = @transform_1, window_bounds = array<i64: 1024, 3200>}, {transform_indices = @transform_2, window_bounds = array<i64: 128, 3200>}]} {
    %get3A = arith.constant 0 : index
    %get3A_0 = arith.constant 0 : index
    %get3A_1 = vector.load %arg1[%get3A, %get3A_0] : memref<128x1024xf32, #tpu.memory_space<vmem>>, vector<128x1024xf32>
    %get3A_2 = arith.constant 0 : index
    %get3A_3 = arith.constant 0 : index
    %get3A_4 = vector.load %arg2[%get3A_2, %get3A_3] : memref<1024x3200xf32, #tpu.memory_space<vmem>>, vector<1024x3200xf32>
    %dot_general3A = arith.constant dense<0.000000e+00> : vector<128x3200xf32>
    %dot_general3A_5 = tpu.matmul %get3A_1, %get3A_4, %dot_general3A {dimension_numbers = #tpu.dot_dimension_numbers<[1], [0], [0], [1], [0, 0, 1, 1], [], []>, transpose_lhs_hint = false} : vector<128x1024xf32>, vector<1024x3200xf32>, vector<128x3200xf32> -> vector<128x3200xf32>
    %swap3A = arith.constant 0 : index
    %swap3A_6 = arith.constant 0 : index
    %swap3A_7 = vector.load %arg3[%swap3A, %swap3A_6] : memref<128x3200xf32, #tpu.memory_space<vmem>>, vector<128x3200xf32>
    tpu.vector_store %arg3[%swap3A, %swap3A_6], %dot_general3A_5 {strides = array<i32>} : memref<128x3200xf32, #tpu.memory_space<vmem>>, vector<128x3200xf32>,
    return
  }
  func.func @transform_0(%arg0: i32) -> (i32, i32) {
    %c0_i32 = arith.constant 0 : i32
    %c0_i32_0 = arith.constant 0 : i32
    %c0_i32_1 = arith.constant 0 : i32
    return %c0_i32, %c0_i32_0 : i32, i32
  }
  func.func @transform_1(%arg0: i32) -> (i32, i32) {
    %c0_i32 = arith.constant 0 : i32
    %c0_i32_0 = arith.constant 0 : i32
    return %c0_i32, %arg0 : i32, i32
  }
  func.func @transform_2(%arg0: i32) -> (i32, i32) {
    %c0_i32 = arith.constant 0 : i32
    %c0_i32_0 = arith.constant 0 : i32
    return %c0_i32, %arg0 : i32, i32
  }
}

module attributes {stable_mosaic.version = 14 : i64} {
  func.func @_sample_kernel(%arg0: memref<128x128x256xf32, #tpu.memory_space<vmem>>, %arg1: memref<128x1xf32, #tpu.memory_space<vmem>>, %arg2: memref<128x1xi32, #tpu.memory_space<vmem>>, %arg3: memref<128x128x256xf32, #tpu.memory_space<vmem>>, %arg4: memref<128x256xf32, #tpu.memory_space<vmem>>, %arg5: memref<128x256xf32, #tpu.memory_space<vmem>>) attributes {dimension_semantics = [], scalar_prefetch = 0 : i64, scratch_operands = 3 : i64, tpu.core_type = #tpu.core_type<tc>} {
    %get3A = arith.constant 0 : index
    %get3A_0 = arith.constant 0 : index
    %get3A_1 = arith.constant 0 : index
    %get3A_2 = vector.load %arg0[%get3A, %get3A_0, %get3A_1] : memref<128x128x256xf32, #tpu.memory_space<vmem>>, vector<128x128x256xf32>
    %swap3A = arith.constant 0 : index
    %swap3A_3 = arith.constant 0 : index
    %swap3A_4 = arith.constant 0 : index
    %swap3A_5 = vector.load %arg3[%swap3A, %swap3A_3, %swap3A_4] : memref<128x128x256xf32, #tpu.memory_space<vmem>>, vector<128x128x256xf32>
    tpu.vector_store %arg3[%swap3A, %swap3A_3, %swap3A_4], %get3A_2 {strides = array<i32>} : memref<128x128x256xf32, #tpu.memory_space<vmem>>, vector<128x128x256xf32>,
    %scan3A = arith.constant 1 : i32
    %scan3A_6 = arith.constant 127 : i32
    %scan3A_7 = arith.addi %scan3A, %scan3A_6 : i32
    %scan3A_8 = arith.constant 1 : i32
    scf.for %scan3A_1915 = %scan3A to %scan3A_7 step %scan3A_8  : i32 {
      %get3A_1916 = arith.index_cast %scan3A_1915 : i32 to index
      %get3A_1917 = arith.constant 0 : index
      %get3A_1918 = arith.constant 0 : index
      %get3A_1919 = vector.load %arg3[%get3A_1916, %get3A_1917, %get3A_1918] : memref<128x128x256xf32, #tpu.memory_space<vmem>>, vector<1x128x256xf32>
      %sub3A = arith.constant 1 : i32
      %sub3A_1920 = arith.subi %scan3A_1915, %sub3A : i32
      %get3A_1921 = arith.index_cast %sub3A_1920 : i32 to index
      %get3A_1922 = arith.constant 0 : index
      %get3A_1923 = arith.constant 0 : index
      %get3A_1924 = vector.load %arg3[%get3A_1921, %get3A_1922, %get3A_1923] : memref<128x128x256xf32, #tpu.memory_space<vmem>>, vector<1x128x256xf32>
      %add3A_1925 = arith.addf %get3A_1919, %get3A_1924 : vector<1x128x256xf32>
      %swap3A_1926 = arith.index_cast %scan3A_1915 : i32 to index
      %swap3A_1927 = arith.constant 0 : index
      %swap3A_1928 = arith.constant 0 : index
      %swap3A_1929 = vector.load %arg3[%swap3A_1926, %swap3A_1927, %swap3A_1928] : memref<128x128x256xf32, #tpu.memory_space<vmem>>, vector<1x128x256xf32>
      tpu.vector_store %arg3[%swap3A_1926, %swap3A_1927, %swap3A_1928], %add3A_1925 {strides = array<i32>} : memref<128x128x256xf32, #tpu.memory_space<vmem>>, vector<1x128x256xf32>,
    }
    %scan3A_9 = arith.constant 127 : i32
    %get3A_10 = arith.constant 127 : index
    %get3A_11 = arith.constant 0 : index
    %get3A_12 = arith.constant 0 : index
    %get3A_13 = vector.load %arg3[%get3A_10, %get3A_11, %get3A_12] : memref<128x128x256xf32, #tpu.memory_space<vmem>>, vector<1x128x256xf32>
    %get3A_14 = vector.shape_cast %get3A_13 : vector<1x128x256xf32> to vector<128x256xf32>
    %swap3A_15 = arith.constant 0 : index
    %swap3A_16 = arith.constant 0 : index
    %swap3A_17 = vector.load %arg5[%swap3A_15, %swap3A_16] : memref<128x256xf32, #tpu.memory_space<vmem>>, vector<128x256xf32>
    tpu.vector_store %arg5[%swap3A_15, %swap3A_16], %get3A_14 {strides = array<i32>} : memref<128x256xf32, #tpu.memory_space<vmem>>, vector<128x256xf32>,
    %broadcast_in_dim3A = arith.constant 0.000000e+00 : f32
    %broadcast_in_dim3A_18 = vector.broadcast %broadcast_in_dim3A : f32 to vector<128x1xf32>
    %swap3A_19 = arith.constant 0 : index
    %swap3A_20 = arith.constant 0 : index
    %swap3A_21 = vector.load %arg4[%swap3A_19, %swap3A_20] : memref<128x256xf32, #tpu.memory_space<vmem>>, vector<128x1xf32>
    tpu.vector_store %arg4[%swap3A_19, %swap3A_20], %broadcast_in_dim3A_18 {strides = array<i32>} : memref<128x256xf32, #tpu.memory_space<vmem>>, vector<128x1xf32>,
    %get3A_22 = arith.constant 0 : index
    %get3A_23 = arith.constant 0 : index
    %get3A_24 = vector.load %arg5[%get3A_22, %get3A_23] : memref<128x256xf32, #tpu.memory_space<vmem>>, vector<128x1xf32>
    %add3A = arith.addf %broadcast_in_dim3A_18, %get3A_24 : vector<128x1xf32>
    %swap3A_25 = arith.constant 0 : index
    %swap3A_26 = arith.constant 1 : index
    %swap3A_27 = vector.load %arg4[%swap3A_25, %swap3A_26] : memref<128x256xf32, #tpu.memory_space<vmem>>, vector<128x1xf32>
    tpu.vector_store %arg4[%swap3A_25, %swap3A_26], %add3A {strides = array<i32>} : memref<128x256xf32, #tpu.memory_space<vmem>>, vector<128x1xf32>,
    %get3A_28 = arith.constant 0 : index
    %get3A_29 = arith.constant 1 : index
    %get3A_30 = vector.load %arg5[%get3A_28, %get3A_29] : memref<128x256xf32, #tpu.memory_space<vmem>>, vector<128x1xf32>
    %add3A_31 = arith.addf %add3A, %get3A_30 : vector<128x1xf32>
    %swap3A_32 = arith.constant 0 : index
    %swap3A_33 = arith.constant 2 : index
    %swap3A_34 = vector.load %arg4[%swap3A_32, %swap3A_33] : memref<128x256xf32, #tpu.memory_space<vmem>>, vector<128x1xf32>
    tpu.vector_store %arg4[%swap3A_32, %swap3A_33], %add3A_31 {strides = array<i32>} : memref<128x256xf32, #tpu.memory_space<vmem>>, vector<128x1xf32>,
    %get3A_35 = arith.constant 0 : index
    %get3A_36 = arith.constant 2 : index
    %get3A_37 = vector.load %arg5[%get3A_35, %get3A_36] : memref<128x256xf32, #tpu.memory_space<vmem>>, vector<128x1xf32>
    %add3A_38 = arith.addf %add3A_31, %get3A_37 : vector<128x1xf32>
    %swap3A_39 = arith.constant 0 : index
    %swap3A_40 = arith.constant 3 : index
    %swap3A_41 = vector.load %arg4[%swap3A_39, %swap3A_40] : memref<128x256xf32, #tpu.memory_space<vmem>>, vector<128x1xf32>
    tpu.vector_store %arg4[%swap3A_39, %swap3A_40], %add3A_38 {strides = array<i32>} : memref<128x256xf32, #tpu.memory_space<vmem>>, vector<128x1xf32>,
    %get3A_42 = arith.constant 0 : index
    %get3A_43 = arith.constant 3 : index
    %get3A_44 = vector.load %arg5[%get3A_42, %get3A_43] : memref<128x256xf32, #tpu.memory_space<vmem>>, vector<128x1xf32>
    %add3A_45 = arith.addf %add3A_38, %get3A_44 : vector<128x1xf32>
    %swap3A_46 = arith.constant 0 : index
    %swap3A_47 = arith.constant 4 : index
    %swap3A_48 = vector.load %arg4[%swap3A_46, %swap3A_47] : memref<128x256xf32, #tpu.memory_space<vmem>>, vector<128x1xf32>
    tpu.vector_store %arg4[%swap3A_46, %swap3A_47], %add3A_45 {strides = array<i32>} : memref<128x256xf32, #tpu.memory_space<vmem>>, vector<128x1xf32>,
    %get3A_49 = arith.constant 0 : index
    %get3A_50 = arith.constant 4 : index
    %get3A_51 = vector.load %arg5[%get3A_49, %get3A_50] : memref<128x256xf32, #tpu.memory_space<vmem>>, vector<128x1xf32>
    %add3A_52 = arith.addf %add3A_45, %get3A_51 : vector<128x1xf32>
    %swap3A_53 = arith.constant 0 : index
    %swap3A_54 = arith.constant 5 : index
    %swap3A_55 = vector.load %arg4[%swap3A_53, %swap3A_54] : memref<128x256xf32, #tpu.memory_space<vmem>>, vector<128x1xf32>
    tpu.vector_store %arg4[%swap3A_53, %swap3A_54], %add3A_52 {strides = array<i32>} : memref<128x256xf32, #tpu.memory_space<vmem>>, vector<128x1xf32>,
    %get3A_56 = arith.constant 0 : index
    %get3A_57 = arith.constant 5 : index
    %get3A_58 = vector.load %arg5[%get3A_56, %get3A_57] : memref<128x256xf32, #tpu.memory_space<vmem>>, vector<128x1xf32>
    %add3A_59 = arith.addf %add3A_52, %get3A_58 : vector<128x1xf32>
    %swap3A_60 = arith.constant 0 : index
    %swap3A_61 = arith.constant 6 : index
    %swap3A_62 = vector.load %arg4[%swap3A_60, %swap3A_61] : memref<128x256xf32, #tpu.memory_space<vmem>>, vector<128x1xf32>
    tpu.vector_store %arg4[%swap3A_60, %swap3A_61], %add3A_59 {strides = array<i32>} : memref<128x256xf32, #tpu.memory_space<vmem>>, vector<128x1xf32>,
    %get3A_63 = arith.constant 0 : index
    %get3A_64 = arith.constant 6 : index
    %get3A_65 = vector.load %arg5[%get3A_63, %get3A_64] : memref<128x256xf32, #tpu.memory_space<vmem>>, vector<128x1xf32>
    %add3A_66 = arith.addf %add3A_59, %get3A_65 : vector<128x1xf32>
    %swap3A_67 = arith.constant 0 : index
    %swap3A_68 = arith.constant 7 : index
    %swap3A_69 = vector.load %arg4[%swap3A_67, %swap3A_68] : memref<128x256xf32, #tpu.memory_space<vmem>>, vector<128x1xf32>
    tpu.vector_store %arg4[%swap3A_67, %swap3A_68], %add3A_66 {strides = array<i32>} : memref<128x256xf32, #tpu.memory_space<vmem>>, vector<128x1xf32>,
    %get3A_70 = arith.constant 0 : index
    %get3A_71 = arith.constant 7 : index
    %get3A_72 = vector.load %arg5[%get3A_70, %get3A_71] : memref<128x256xf32, #tpu.memory_space<vmem>>, vector<128x1xf32>
    %add3A_73 = arith.addf %add3A_66, %get3A_72 : vector<128x1xf32>
    %swap3A_74 = arith.constant 0 : index
    %swap3A_75 = arith.constant 8 : index
    %swap3A_76 = vector.load %arg4[%swap3A_74, %swap3A_75] : memref<128x256xf32, #tpu.memory_space<vmem>>, vector<128x1xf32>
    tpu.vector_store %arg4[%swap3A_74, %swap3A_75], %add3A_73 {strides = array<i32>} : memref<128x256xf32, #tpu.memory_space<vmem>>, vector<128x1xf32>,
    %get3A_77 = arith.constant 0 : index
    %get3A_78 = arith.constant 8 : index
    %get3A_79 = vector.load %arg5[%get3A_77, %get3A_78] : memref<128x256xf32, #tpu.memory_space<vmem>>, vector<128x1xf32>
    %add3A_80 = arith.addf %add3A_73, %get3A_79 : vector<128x1xf32>
    %swap3A_81 = arith.constant 0 : index
    %swap3A_82 = arith.constant 9 : index
    %swap3A_83 = vector.load %arg4[%swap3A_81, %swap3A_82] : memref<128x256xf32, #tpu.memory_space<vmem>>, vector<128x1xf32>
    tpu.vector_store %arg4[%swap3A_81, %swap3A_82], %add3A_80 {strides = array<i32>} : memref<128x256xf32, #tpu.memory_space<vmem>>, vector<128x1xf32>,
    %get3A_84 = arith.constant 0 : index
    %get3A_85 = arith.constant 9 : index
    %get3A_86 = vector.load %arg5[%get3A_84, %get3A_85] : memref<128x256xf32, #tpu.memory_space<vmem>>, vector<128x1xf32>
    %add3A_87 = arith.addf %add3A_80, %get3A_86 : vector<128x1xf32>
    %swap3A_88 = arith.constant 0 : index
    %swap3A_89 = arith.constant 10 : index
    %swap3A_90 = vector.load %arg4[%swap3A_88, %swap3A_89] : memref<128x256xf32, #tpu.memory_space<vmem>>, vector<128x1xf32>
    tpu.vector_store %arg4[%swap3A_88, %swap3A_89], %add3A_87 {strides = array<i32>} : memref<128x256xf32, #tpu.memory_space<vmem>>, vector<128x1xf32>,
    %get3A_91 = arith.constant 0 : index
    %get3A_92 = arith.constant 10 : index
    %get3A_93 = vector.load %arg5[%get3A_91, %get3A_92] : memref<128x256xf32, #tpu.memory_space<vmem>>, vector<128x1xf32>
    %add3A_94 = arith.addf %add3A_87, %get3A_93 : vector<128x1xf32>
    %swap3A_95 = arith.constant 0 : index
    %swap3A_96 = arith.constant 11 : index
    %swap3A_97 = vector.load %arg4[%swap3A_95, %swap3A_96] : memref<128x256xf32, #tpu.memory_space<vmem>>, vector<128x1xf32>
    tpu.vector_store %arg4[%swap3A_95, %swap3A_96], %add3A_94 {strides = array<i32>} : memref<128x256xf32, #tpu.memory_space<vmem>>, vector<128x1xf32>,
    %get3A_98 = arith.constant 0 : index
    %get3A_99 = arith.constant 11 : index
    %get3A_100 = vector.load %arg5[%get3A_98, %get3A_99] : memref<128x256xf32, #tpu.memory_space<vmem>>, vector<128x1xf32>
    %add3A_101 = arith.addf %add3A_94, %get3A_100 : vector<128x1xf32>
    %swap3A_102 = arith.constant 0 : index
    %swap3A_103 = arith.constant 12 : index
    %swap3A_104 = vector.load %arg4[%swap3A_102, %swap3A_103] : memref<128x256xf32, #tpu.memory_space<vmem>>, vector<128x1xf32>
    tpu.vector_store %arg4[%swap3A_102, %swap3A_103], %add3A_101 {strides = array<i32>} : memref<128x256xf32, #tpu.memory_space<vmem>>, vector<128x1xf32>,
    %get3A_105 = arith.constant 0 : index
    %get3A_106 = arith.constant 12 : index
    %get3A_107 = vector.load %arg5[%get3A_105, %get3A_106] : memref<128x256xf32, #tpu.memory_space<vmem>>, vector<128x1xf32>
    %add3A_108 = arith.addf %add3A_101, %get3A_107 : vector<128x1xf32>
    %swap3A_109 = arith.constant 0 : index
    %swap3A_110 = arith.constant 13 : index
    %swap3A_111 = vector.load %arg4[%swap3A_109, %swap3A_110] : memref<128x256xf32, #tpu.memory_space<vmem>>, vector<128x1xf32>
    tpu.vector_store %arg4[%swap3A_109, %swap3A_110], %add3A_108 {strides = array<i32>} : memref<128x256xf32, #tpu.memory_space<vmem>>, vector<128x1xf32>,
    %get3A_112 = arith.constant 0 : index
    %get3A_113 = arith.constant 13 : index
    %get3A_114 = vector.load %arg5[%get3A_112, %get3A_113] : memref<128x256xf32, #tpu.memory_space<vmem>>, vector<128x1xf32>
    %add3A_115 = arith.addf %add3A_108, %get3A_114 : vector<128x1xf32>
    %swap3A_116 = arith.constant 0 : index
    %swap3A_117 = arith.constant 14 : index
    %swap3A_118 = vector.load %arg4[%swap3A_116, %swap3A_117] : memref<128x256xf32, #tpu.memory_space<vmem>>, vector<128x1xf32>
    tpu.vector_store %arg4[%swap3A_116, %swap3A_117], %add3A_115 {strides = array<i32>} : memref<128x256xf32, #tpu.memory_space<vmem>>, vector<128x1xf32>,
    %get3A_119 = arith.constant 0 : index
    %get3A_120 = arith.constant 14 : index
    %get3A_121 = vector.load %arg5[%get3A_119, %get3A_120] : memref<128x256xf32, #tpu.memory_space<vmem>>, vector<128x1xf32>
    %add3A_122 = arith.addf %add3A_115, %get3A_121 : vector<128x1xf32>
    %swap3A_123 = arith.constant 0 : index
    %swap3A_124 = arith.constant 15 : index
    %swap3A_125 = vector.load %arg4[%swap3A_123, %swap3A_124] : memref<128x256xf32, #tpu.memory_space<vmem>>, vector<128x1xf32>
    tpu.vector_store %arg4[%swap3A_123, %swap3A_124], %add3A_122 {strides = array<i32>} : memref<128x256xf32, #tpu.memory_space<vmem>>, vector<128x1xf32>,
    %get3A_126 = arith.constant 0 : index
    %get3A_127 = arith.constant 15 : index
    %get3A_128 = vector.load %arg5[%get3A_126, %get3A_127] : memref<128x256xf32, #tpu.memory_space<vmem>>, vector<128x1xf32>
    %add3A_129 = arith.addf %add3A_122, %get3A_128 : vector<128x1xf32>
    %swap3A_130 = arith.constant 0 : index
    %swap3A_131 = arith.constant 16 : index
    %swap3A_132 = vector.load %arg4[%swap3A_130, %swap3A_131] : memref<128x256xf32, #tpu.memory_space<vmem>>, vector<128x1xf32>
    tpu.vector_store %arg4[%swap3A_130, %swap3A_131], %add3A_129 {strides = array<i32>} : memref<128x256xf32, #tpu.memory_space<vmem>>, vector<128x1xf32>,
    %get3A_133 = arith.constant 0 : index
    %get3A_134 = arith.constant 16 : index
    %get3A_135 = vector.load %arg5[%get3A_133, %get3A_134] : memref<128x256xf32, #tpu.memory_space<vmem>>, vector<128x1xf32>
    %add3A_136 = arith.addf %add3A_129, %get3A_135 : vector<128x1xf32>
    %swap3A_137 = arith.constant 0 : index
    %swap3A_138 = arith.constant 17 : index
    %swap3A_139 = vector.load %arg4[%swap3A_137, %swap3A_138] : memref<128x256xf32, #tpu.memory_space<vmem>>, vector<128x1xf32>
    tpu.vector_store %arg4[%swap3A_137, %swap3A_138], %add3A_136 {strides = array<i32>} : memref<128x256xf32, #tpu.memory_space<vmem>>, vector<128x1xf32>,
    %get3A_140 = arith.constant 0 : index
    %get3A_141 = arith.constant 17 : index
    %get3A_142 = vector.load %arg5[%get3A_140, %get3A_141] : memref<128x256xf32, #tpu.memory_space<vmem>>, vector<128x1xf32>
    %add3A_143 = arith.addf %add3A_136, %get3A_142 : vector<128x1xf32>
    %swap3A_144 = arith.constant 0 : index
    %swap3A_145 = arith.constant 18 : index
    %swap3A_146 = vector.load %arg4[%swap3A_144, %swap3A_145] : memref<128x256xf32, #tpu.memory_space<vmem>>, vector<128x1xf32>
    tpu.vector_store %arg4[%swap3A_144, %swap3A_145], %add3A_143 {strides = array<i32>} : memref<128x256xf32, #tpu.memory_space<vmem>>, vector<128x1xf32>,
    %get3A_147 = arith.constant 0 : index
    %get3A_148 = arith.constant 18 : index
    %get3A_149 = vector.load %arg5[%get3A_147, %get3A_148] : memref<128x256xf32, #tpu.memory_space<vmem>>, vector<128x1xf32>
    %add3A_150 = arith.addf %add3A_143, %get3A_149 : vector<128x1xf32>
    %swap3A_151 = arith.constant 0 : index
    %swap3A_152 = arith.constant 19 : index
    %swap3A_153 = vector.load %arg4[%swap3A_151, %swap3A_152] : memref<128x256xf32, #tpu.memory_space<vmem>>, vector<128x1xf32>
    tpu.vector_store %arg4[%swap3A_151, %swap3A_152], %add3A_150 {strides = array<i32>} : memref<128x256xf32, #tpu.memory_space<vmem>>, vector<128x1xf32>,
    %get3A_154 = arith.constant 0 : index
    %get3A_155 = arith.constant 19 : index
    %get3A_156 = vector.load %arg5[%get3A_154, %get3A_155] : memref<128x256xf32, #tpu.memory_space<vmem>>, vector<128x1xf32>
    %add3A_157 = arith.addf %add3A_150, %get3A_156 : vector<128x1xf32>
    %swap3A_158 = arith.constant 0 : index
    %swap3A_159 = arith.constant 20 : index
    %swap3A_160 = vector.load %arg4[%swap3A_158, %swap3A_159] : memref<128x256xf32, #tpu.memory_space<vmem>>, vector<128x1xf32>
    tpu.vector_store %arg4[%swap3A_158, %swap3A_159], %add3A_157 {strides = array<i32>} : memref<128x256xf32, #tpu.memory_space<vmem>>, vector<128x1xf32>,
    %get3A_161 = arith.constant 0 : index
    %get3A_162 = arith.constant 20 : index
    %get3A_163 = vector.load %arg5[%get3A_161, %get3A_162] : memref<128x256xf32, #tpu.memory_space<vmem>>, vector<128x1xf32>
    %add3A_164 = arith.addf %add3A_157, %get3A_163 : vector<128x1xf32>
    %swap3A_165 = arith.constant 0 : index
    %swap3A_166 = arith.constant 21 : index
    %swap3A_167 = vector.load %arg4[%swap3A_165, %swap3A_166] : memref<128x256xf32, #tpu.memory_space<vmem>>, vector<128x1xf32>
    tpu.vector_store %arg4[%swap3A_165, %swap3A_166], %add3A_164 {strides = array<i32>} : memref<128x256xf32, #tpu.memory_space<vmem>>, vector<128x1xf32>,
    %get3A_168 = arith.constant 0 : index
    %get3A_169 = arith.constant 21 : index
    %get3A_170 = vector.load %arg5[%get3A_168, %get3A_169] : memref<128x256xf32, #tpu.memory_space<vmem>>, vector<128x1xf32>
    %add3A_171 = arith.addf %add3A_164, %get3A_170 : vector<128x1xf32>
    %swap3A_172 = arith.constant 0 : index
    %swap3A_173 = arith.constant 22 : index
    %swap3A_174 = vector.load %arg4[%swap3A_172, %swap3A_173] : memref<128x256xf32, #tpu.memory_space<vmem>>, vector<128x1xf32>
    tpu.vector_store %arg4[%swap3A_172, %swap3A_173], %add3A_171 {strides = array<i32>} : memref<128x256xf32, #tpu.memory_space<vmem>>, vector<128x1xf32>,
    %get3A_175 = arith.constant 0 : index
    %get3A_176 = arith.constant 22 : index
    %get3A_177 = vector.load %arg5[%get3A_175, %get3A_176] : memref<128x256xf32, #tpu.memory_space<vmem>>, vector<128x1xf32>
    %add3A_178 = arith.addf %add3A_171, %get3A_177 : vector<128x1xf32>
    %swap3A_179 = arith.constant 0 : index
    %swap3A_180 = arith.constant 23 : index
    %swap3A_181 = vector.load %arg4[%swap3A_179, %swap3A_180] : memref<128x256xf32, #tpu.memory_space<vmem>>, vector<128x1xf32>
    tpu.vector_store %arg4[%swap3A_179, %swap3A_180], %add3A_178 {strides = array<i32>} : memref<128x256xf32, #tpu.memory_space<vmem>>, vector<128x1xf32>,
    %get3A_182 = arith.constant 0 : index
    %get3A_183 = arith.constant 23 : index
    %get3A_184 = vector.load %arg5[%get3A_182, %get3A_183] : memref<128x256xf32, #tpu.memory_space<vmem>>, vector<128x1xf32>
    %add3A_185 = arith.addf %add3A_178, %get3A_184 : vector<128x1xf32>
    %swap3A_186 = arith.constant 0 : index
    %swap3A_187 = arith.constant 24 : index
    %swap3A_188 = vector.load %arg4[%swap3A_186, %swap3A_187] : memref<128x256xf32, #tpu.memory_space<vmem>>, vector<128x1xf32>
    tpu.vector_store %arg4[%swap3A_186, %swap3A_187], %add3A_185 {strides = array<i32>} : memref<128x256xf32, #tpu.memory_space<vmem>>, vector<128x1xf32>,
    %get3A_189 = arith.constant 0 : index
    %get3A_190 = arith.constant 24 : index
    %get3A_191 = vector.load %arg5[%get3A_189, %get3A_190] : memref<128x256xf32, #tpu.memory_space<vmem>>, vector<128x1xf32>
    %add3A_192 = arith.addf %add3A_185, %get3A_191 : vector<128x1xf32>
    %swap3A_193 = arith.constant 0 : index
    %swap3A_194 = arith.constant 25 : index
    %swap3A_195 = vector.load %arg4[%swap3A_193, %swap3A_194] : memref<128x256xf32, #tpu.memory_space<vmem>>, vector<128x1xf32>
    tpu.vector_store %arg4[%swap3A_193, %swap3A_194], %add3A_192 {strides = array<i32>} : memref<128x256xf32, #tpu.memory_space<vmem>>, vector<128x1xf32>,
    %get3A_196 = arith.constant 0 : index
    %get3A_197 = arith.constant 25 : index
    %get3A_198 = vector.load %arg5[%get3A_196, %get3A_197] : memref<128x256xf32, #tpu.memory_space<vmem>>, vector<128x1xf32>
    %add3A_199 = arith.addf %add3A_192, %get3A_198 : vector<128x1xf32>
    %swap3A_200 = arith.constant 0 : index
    %swap3A_201 = arith.constant 26 : index
    %swap3A_202 = vector.load %arg4[%swap3A_200, %swap3A_201] : memref<128x256xf32, #tpu.memory_space<vmem>>, vector<128x1xf32>
    tpu.vector_store %arg4[%swap3A_200, %swap3A_201], %add3A_199 {strides = array<i32>} : memref<128x256xf32, #tpu.memory_space<vmem>>, vector<128x1xf32>,
    %get3A_203 = arith.constant 0 : index
    %get3A_204 = arith.constant 26 : index
    %get3A_205 = vector.load %arg5[%get3A_203, %get3A_204] : memref<128x256xf32, #tpu.memory_space<vmem>>, vector<128x1xf32>
    %add3A_206 = arith.addf %add3A_199, %get3A_205 : vector<128x1xf32>
    %swap3A_207 = arith.constant 0 : index
    %swap3A_208 = arith.constant 27 : index
    %swap3A_209 = vector.load %arg4[%swap3A_207, %swap3A_208] : memref<128x256xf32, #tpu.memory_space<vmem>>, vector<128x1xf32>
    tpu.vector_store %arg4[%swap3A_207, %swap3A_208], %add3A_206 {strides = array<i32>} : memref<128x256xf32, #tpu.memory_space<vmem>>, vector<128x1xf32>,
    %get3A_210 = arith.constant 0 : index
    %get3A_211 = arith.constant 27 : index
    %get3A_212 = vector.load %arg5[%get3A_210, %get3A_211] : memref<128x256xf32, #tpu.memory_space<vmem>>, vector<128x1xf32>
    %add3A_213 = arith.addf %add3A_206, %get3A_212 : vector<128x1xf32>
    %swap3A_214 = arith.constant 0 : index
    %swap3A_215 = arith.constant 28 : index
    %swap3A_216 = vector.load %arg4[%swap3A_214, %swap3A_215] : memref<128x256xf32, #tpu.memory_space<vmem>>, vector<128x1xf32>
    tpu.vector_store %arg4[%swap3A_214, %swap3A_215], %add3A_213 {strides = array<i32>} : memref<128x256xf32, #tpu.memory_space<vmem>>, vector<128x1xf32>,
    %get3A_217 = arith.constant 0 : index
    %get3A_218 = arith.constant 28 : index
    %get3A_219 = vector.load %arg5[%get3A_217, %get3A_218] : memref<128x256xf32, #tpu.memory_space<vmem>>, vector<128x1xf32>
    %add3A_220 = arith.addf %add3A_213, %get3A_219 : vector<128x1xf32>
    %swap3A_221 = arith.constant 0 : index
    %swap3A_222 = arith.constant 29 : index
    %swap3A_223 = vector.load %arg4[%swap3A_221, %swap3A_222] : memref<128x256xf32, #tpu.memory_space<vmem>>, vector<128x1xf32>
    tpu.vector_store %arg4[%swap3A_221, %swap3A_222], %add3A_220 {strides = array<i32>} : memref<128x256xf32, #tpu.memory_space<vmem>>, vector<128x1xf32>,
    %get3A_224 = arith.constant 0 : index
    %get3A_225 = arith.constant 29 : index
    %get3A_226 = vector.load %arg5[%get3A_224, %get3A_225] : memref<128x256xf32, #tpu.memory_space<vmem>>, vector<128x1xf32>
    %add3A_227 = arith.addf %add3A_220, %get3A_226 : vector<128x1xf32>
    %swap3A_228 = arith.constant 0 : index
    %swap3A_229 = arith.constant 30 : index
    %swap3A_230 = vector.load %arg4[%swap3A_228, %swap3A_229] : memref<128x256xf32, #tpu.memory_space<vmem>>, vector<128x1xf32>
    tpu.vector_store %arg4[%swap3A_228, %swap3A_229], %add3A_227 {strides = array<i32>} : memref<128x256xf32, #tpu.memory_space<vmem>>, vector<128x1xf32>,
    %get3A_231 = arith.constant 0 : index
    %get3A_232 = arith.constant 30 : index
    %get3A_233 = vector.load %arg5[%get3A_231, %get3A_232] : memref<128x256xf32, #tpu.memory_space<vmem>>, vector<128x1xf32>
    %add3A_234 = arith.addf %add3A_227, %get3A_233 : vector<128x1xf32>
    %swap3A_235 = arith.constant 0 : index
    %swap3A_236 = arith.constant 31 : index
    %swap3A_237 = vector.load %arg4[%swap3A_235, %swap3A_236] : memref<128x256xf32, #tpu.memory_space<vmem>>, vector<128x1xf32>
    tpu.vector_store %arg4[%swap3A_235, %swap3A_236], %add3A_234 {strides = array<i32>} : memref<128x256xf32, #tpu.memory_space<vmem>>, vector<128x1xf32>,
    %get3A_238 = arith.constant 0 : index
    %get3A_239 = arith.constant 31 : index
    %get3A_240 = vector.load %arg5[%get3A_238, %get3A_239] : memref<128x256xf32, #tpu.memory_space<vmem>>, vector<128x1xf32>
    %add3A_241 = arith.addf %add3A_234, %get3A_240 : vector<128x1xf32>
    %swap3A_242 = arith.constant 0 : index
    %swap3A_243 = arith.constant 32 : index
    %swap3A_244 = vector.load %arg4[%swap3A_242, %swap3A_243] : memref<128x256xf32, #tpu.memory_space<vmem>>, vector<128x1xf32>
    tpu.vector_store %arg4[%swap3A_242, %swap3A_243], %add3A_241 {strides = array<i32>} : memref<128x256xf32, #tpu.memory_space<vmem>>, vector<128x1xf32>,
    %get3A_245 = arith.constant 0 : index
    %get3A_246 = arith.constant 32 : index
    %get3A_247 = vector.load %arg5[%get3A_245, %get3A_246] : memref<128x256xf32, #tpu.memory_space<vmem>>, vector<128x1xf32>
    %add3A_248 = arith.addf %add3A_241, %get3A_247 : vector<128x1xf32>
    %swap3A_249 = arith.constant 0 : index
    %swap3A_250 = arith.constant 33 : index
    %swap3A_251 = vector.load %arg4[%swap3A_249, %swap3A_250] : memref<128x256xf32, #tpu.memory_space<vmem>>, vector<128x1xf32>
    tpu.vector_store %arg4[%swap3A_249, %swap3A_250], %add3A_248 {strides = array<i32>} : memref<128x256xf32, #tpu.memory_space<vmem>>, vector<128x1xf32>,
    %get3A_252 = arith.constant 0 : index
    %get3A_253 = arith.constant 33 : index
    %get3A_254 = vector.load %arg5[%get3A_252, %get3A_253] : memref<128x256xf32, #tpu.memory_space<vmem>>, vector<128x1xf32>
    %add3A_255 = arith.addf %add3A_248, %get3A_254 : vector<128x1xf32>
    %swap3A_256 = arith.constant 0 : index
    %swap3A_257 = arith.constant 34 : index
    %swap3A_258 = vector.load %arg4[%swap3A_256, %swap3A_257] : memref<128x256xf32, #tpu.memory_space<vmem>>, vector<128x1xf32>
    tpu.vector_store %arg4[%swap3A_256, %swap3A_257], %add3A_255 {strides = array<i32>} : memref<128x256xf32, #tpu.memory_space<vmem>>, vector<128x1xf32>,
    %get3A_259 = arith.constant 0 : index
    %get3A_260 = arith.constant 34 : index
    %get3A_261 = vector.load %arg5[%get3A_259, %get3A_260] : memref<128x256xf32, #tpu.memory_space<vmem>>, vector<128x1xf32>
    %add3A_262 = arith.addf %add3A_255, %get3A_261 : vector<128x1xf32>
    %swap3A_263 = arith.constant 0 : index
    %swap3A_264 = arith.constant 35 : index
    %swap3A_265 = vector.load %arg4[%swap3A_263, %swap3A_264] : memref<128x256xf32, #tpu.memory_space<vmem>>, vector<128x1xf32>
    tpu.vector_store %arg4[%swap3A_263, %swap3A_264], %add3A_262 {strides = array<i32>} : memref<128x256xf32, #tpu.memory_space<vmem>>, vector<128x1xf32>,
    %get3A_266 = arith.constant 0 : index
    %get3A_267 = arith.constant 35 : index
    %get3A_268 = vector.load %arg5[%get3A_266, %get3A_267] : memref<128x256xf32, #tpu.memory_space<vmem>>, vector<128x1xf32>
    %add3A_269 = arith.addf %add3A_262, %get3A_268 : vector<128x1xf32>
    %swap3A_270 = arith.constant 0 : index
    %swap3A_271 = arith.constant 36 : index
    %swap3A_272 = vector.load %arg4[%swap3A_270, %swap3A_271] : memref<128x256xf32, #tpu.memory_space<vmem>>, vector<128x1xf32>
    tpu.vector_store %arg4[%swap3A_270, %swap3A_271], %add3A_269 {strides = array<i32>} : memref<128x256xf32, #tpu.memory_space<vmem>>, vector<128x1xf32>,
    %get3A_273 = arith.constant 0 : index
    %get3A_274 = arith.constant 36 : index
    %get3A_275 = vector.load %arg5[%get3A_273, %get3A_274] : memref<128x256xf32, #tpu.memory_space<vmem>>, vector<128x1xf32>
    %add3A_276 = arith.addf %add3A_269, %get3A_275 : vector<128x1xf32>
    %swap3A_277 = arith.constant 0 : index
    %swap3A_278 = arith.constant 37 : index
    %swap3A_279 = vector.load %arg4[%swap3A_277, %swap3A_278] : memref<128x256xf32, #tpu.memory_space<vmem>>, vector<128x1xf32>
    tpu.vector_store %arg4[%swap3A_277, %swap3A_278], %add3A_276 {strides = array<i32>} : memref<128x256xf32, #tpu.memory_space<vmem>>, vector<128x1xf32>,
    %get3A_280 = arith.constant 0 : index
    %get3A_281 = arith.constant 37 : index
    %get3A_282 = vector.load %arg5[%get3A_280, %get3A_281] : memref<128x256xf32, #tpu.memory_space<vmem>>, vector<128x1xf32>
    %add3A_283 = arith.addf %add3A_276, %get3A_282 : vector<128x1xf32>
    %swap3A_284 = arith.constant 0 : index
    %swap3A_285 = arith.constant 38 : index
    %swap3A_286 = vector.load %arg4[%swap3A_284, %swap3A_285] : memref<128x256xf32, #tpu.memory_space<vmem>>, vector<128x1xf32>
    tpu.vector_store %arg4[%swap3A_284, %swap3A_285], %add3A_283 {strides = array<i32>} : memref<128x256xf32, #tpu.memory_space<vmem>>, vector<128x1xf32>,
    %get3A_287 = arith.constant 0 : index
    %get3A_288 = arith.constant 38 : index
    %get3A_289 = vector.load %arg5[%get3A_287, %get3A_288] : memref<128x256xf32, #tpu.memory_space<vmem>>, vector<128x1xf32>
    %add3A_290 = arith.addf %add3A_283, %get3A_289 : vector<128x1xf32>
    %swap3A_291 = arith.constant 0 : index
    %swap3A_292 = arith.constant 39 : index
    %swap3A_293 = vector.load %arg4[%swap3A_291, %swap3A_292] : memref<128x256xf32, #tpu.memory_space<vmem>>, vector<128x1xf32>
    tpu.vector_store %arg4[%swap3A_291, %swap3A_292], %add3A_290 {strides = array<i32>} : memref<128x256xf32, #tpu.memory_space<vmem>>, vector<128x1xf32>,
    %get3A_294 = arith.constant 0 : index
    %get3A_295 = arith.constant 39 : index
    %get3A_296 = vector.load %arg5[%get3A_294, %get3A_295] : memref<128x256xf32, #tpu.memory_space<vmem>>, vector<128x1xf32>
    %add3A_297 = arith.addf %add3A_290, %get3A_296 : vector<128x1xf32>
    %swap3A_298 = arith.constant 0 : index
    %swap3A_299 = arith.constant 40 : index
    %swap3A_300 = vector.load %arg4[%swap3A_298, %swap3A_299] : memref<128x256xf32, #tpu.memory_space<vmem>>, vector<128x1xf32>
    tpu.vector_store %arg4[%swap3A_298, %swap3A_299], %add3A_297 {strides = array<i32>} : memref<128x256xf32, #tpu.memory_space<vmem>>, vector<128x1xf32>,
    %get3A_301 = arith.constant 0 : index
    %get3A_302 = arith.constant 40 : index
    %get3A_303 = vector.load %arg5[%get3A_301, %get3A_302] : memref<128x256xf32, #tpu.memory_space<vmem>>, vector<128x1xf32>
    %add3A_304 = arith.addf %add3A_297, %get3A_303 : vector<128x1xf32>
    %swap3A_305 = arith.constant 0 : index
    %swap3A_306 = arith.constant 41 : index
    %swap3A_307 = vector.load %arg4[%swap3A_305, %swap3A_306] : memref<128x256xf32, #tpu.memory_space<vmem>>, vector<128x1xf32>
    tpu.vector_store %arg4[%swap3A_305, %swap3A_306], %add3A_304 {strides = array<i32>} : memref<128x256xf32, #tpu.memory_space<vmem>>, vector<128x1xf32>,
    %get3A_308 = arith.constant 0 : index
    %get3A_309 = arith.constant 41 : index
    %get3A_310 = vector.load %arg5[%get3A_308, %get3A_309] : memref<128x256xf32, #tpu.memory_space<vmem>>, vector<128x1xf32>
    %add3A_311 = arith.addf %add3A_304, %get3A_310 : vector<128x1xf32>
    %swap3A_312 = arith.constant 0 : index
    %swap3A_313 = arith.constant 42 : index
    %swap3A_314 = vector.load %arg4[%swap3A_312, %swap3A_313] : memref<128x256xf32, #tpu.memory_space<vmem>>, vector<128x1xf32>
    tpu.vector_store %arg4[%swap3A_312, %swap3A_313], %add3A_311 {strides = array<i32>} : memref<128x256xf32, #tpu.memory_space<vmem>>, vector<128x1xf32>,
    %get3A_315 = arith.constant 0 : index
    %get3A_316 = arith.constant 42 : index
    %get3A_317 = vector.load %arg5[%get3A_315, %get3A_316] : memref<128x256xf32, #tpu.memory_space<vmem>>, vector<128x1xf32>
    %add3A_318 = arith.addf %add3A_311, %get3A_317 : vector<128x1xf32>
    %swap3A_319 = arith.constant 0 : index
    %swap3A_320 = arith.constant 43 : index
    %swap3A_321 = vector.load %arg4[%swap3A_319, %swap3A_320] : memref<128x256xf32, #tpu.memory_space<vmem>>, vector<128x1xf32>
    tpu.vector_store %arg4[%swap3A_319, %swap3A_320], %add3A_318 {strides = array<i32>} : memref<128x256xf32, #tpu.memory_space<vmem>>, vector<128x1xf32>,
    %get3A_322 = arith.constant 0 : index
    %get3A_323 = arith.constant 43 : index
    %get3A_324 = vector.load %arg5[%get3A_322, %get3A_323] : memref<128x256xf32, #tpu.memory_space<vmem>>, vector<128x1xf32>
    %add3A_325 = arith.addf %add3A_318, %get3A_324 : vector<128x1xf32>
    %swap3A_326 = arith.constant 0 : index
    %swap3A_327 = arith.constant 44 : index
    %swap3A_328 = vector.load %arg4[%swap3A_326, %swap3A_327] : memref<128x256xf32, #tpu.memory_space<vmem>>, vector<128x1xf32>
    tpu.vector_store %arg4[%swap3A_326, %swap3A_327], %add3A_325 {strides = array<i32>} : memref<128x256xf32, #tpu.memory_space<vmem>>, vector<128x1xf32>,
    %get3A_329 = arith.constant 0 : index
    %get3A_330 = arith.constant 44 : index
    %get3A_331 = vector.load %arg5[%get3A_329, %get3A_330] : memref<128x256xf32, #tpu.memory_space<vmem>>, vector<128x1xf32>
    %add3A_332 = arith.addf %add3A_325, %get3A_331 : vector<128x1xf32>
    %swap3A_333 = arith.constant 0 : index
    %swap3A_334 = arith.constant 45 : index
    %swap3A_335 = vector.load %arg4[%swap3A_333, %swap3A_334] : memref<128x256xf32, #tpu.memory_space<vmem>>, vector<128x1xf32>
    tpu.vector_store %arg4[%swap3A_333, %swap3A_334], %add3A_332 {strides = array<i32>} : memref<128x256xf32, #tpu.memory_space<vmem>>, vector<128x1xf32>,
    %get3A_336 = arith.constant 0 : index
    %get3A_337 = arith.constant 45 : index
    %get3A_338 = vector.load %arg5[%get3A_336, %get3A_337] : memref<128x256xf32, #tpu.memory_space<vmem>>, vector<128x1xf32>
    %add3A_339 = arith.addf %add3A_332, %get3A_338 : vector<128x1xf32>
    %swap3A_340 = arith.constant 0 : index
    %swap3A_341 = arith.constant 46 : index
    %swap3A_342 = vector.load %arg4[%swap3A_340, %swap3A_341] : memref<128x256xf32, #tpu.memory_space<vmem>>, vector<128x1xf32>
    tpu.vector_store %arg4[%swap3A_340, %swap3A_341], %add3A_339 {strides = array<i32>} : memref<128x256xf32, #tpu.memory_space<vmem>>, vector<128x1xf32>,
    %get3A_343 = arith.constant 0 : index
    %get3A_344 = arith.constant 46 : index
    %get3A_345 = vector.load %arg5[%get3A_343, %get3A_344] : memref<128x256xf32, #tpu.memory_space<vmem>>, vector<128x1xf32>
    %add3A_346 = arith.addf %add3A_339, %get3A_345 : vector<128x1xf32>
    %swap3A_347 = arith.constant 0 : index
    %swap3A_348 = arith.constant 47 : index
    %swap3A_349 = vector.load %arg4[%swap3A_347, %swap3A_348] : memref<128x256xf32, #tpu.memory_space<vmem>>, vector<128x1xf32>
    tpu.vector_store %arg4[%swap3A_347, %swap3A_348], %add3A_346 {strides = array<i32>} : memref<128x256xf32, #tpu.memory_space<vmem>>, vector<128x1xf32>,
    %get3A_350 = arith.constant 0 : index
    %get3A_351 = arith.constant 47 : index
    %get3A_352 = vector.load %arg5[%get3A_350, %get3A_351] : memref<128x256xf32, #tpu.memory_space<vmem>>, vector<128x1xf32>
    %add3A_353 = arith.addf %add3A_346, %get3A_352 : vector<128x1xf32>
    %swap3A_354 = arith.constant 0 : index
    %swap3A_355 = arith.constant 48 : index
    %swap3A_356 = vector.load %arg4[%swap3A_354, %swap3A_355] : memref<128x256xf32, #tpu.memory_space<vmem>>, vector<128x1xf32>
    tpu.vector_store %arg4[%swap3A_354, %swap3A_355], %add3A_353 {strides = array<i32>} : memref<128x256xf32, #tpu.memory_space<vmem>>, vector<128x1xf32>,
    %get3A_357 = arith.constant 0 : index
    %get3A_358 = arith.constant 48 : index
    %get3A_359 = vector.load %arg5[%get3A_357, %get3A_358] : memref<128x256xf32, #tpu.memory_space<vmem>>, vector<128x1xf32>
    %add3A_360 = arith.addf %add3A_353, %get3A_359 : vector<128x1xf32>
    %swap3A_361 = arith.constant 0 : index
    %swap3A_362 = arith.constant 49 : index
    %swap3A_363 = vector.load %arg4[%swap3A_361, %swap3A_362] : memref<128x256xf32, #tpu.memory_space<vmem>>, vector<128x1xf32>
    tpu.vector_store %arg4[%swap3A_361, %swap3A_362], %add3A_360 {strides = array<i32>} : memref<128x256xf32, #tpu.memory_space<vmem>>, vector<128x1xf32>,
    %get3A_364 = arith.constant 0 : index
    %get3A_365 = arith.constant 49 : index
    %get3A_366 = vector.load %arg5[%get3A_364, %get3A_365] : memref<128x256xf32, #tpu.memory_space<vmem>>, vector<128x1xf32>
    %add3A_367 = arith.addf %add3A_360, %get3A_366 : vector<128x1xf32>
    %swap3A_368 = arith.constant 0 : index
    %swap3A_369 = arith.constant 50 : index
    %swap3A_370 = vector.load %arg4[%swap3A_368, %swap3A_369] : memref<128x256xf32, #tpu.memory_space<vmem>>, vector<128x1xf32>
    tpu.vector_store %arg4[%swap3A_368, %swap3A_369], %add3A_367 {strides = array<i32>} : memref<128x256xf32, #tpu.memory_space<vmem>>, vector<128x1xf32>,
    %get3A_371 = arith.constant 0 : index
    %get3A_372 = arith.constant 50 : index
    %get3A_373 = vector.load %arg5[%get3A_371, %get3A_372] : memref<128x256xf32, #tpu.memory_space<vmem>>, vector<128x1xf32>
    %add3A_374 = arith.addf %add3A_367, %get3A_373 : vector<128x1xf32>
    %swap3A_375 = arith.constant 0 : index
    %swap3A_376 = arith.constant 51 : index
    %swap3A_377 = vector.load %arg4[%swap3A_375, %swap3A_376] : memref<128x256xf32, #tpu.memory_space<vmem>>, vector<128x1xf32>
    tpu.vector_store %arg4[%swap3A_375, %swap3A_376], %add3A_374 {strides = array<i32>} : memref<128x256xf32, #tpu.memory_space<vmem>>, vector<128x1xf32>,
    %get3A_378 = arith.constant 0 : index
    %get3A_379 = arith.constant 51 : index
    %get3A_380 = vector.load %arg5[%get3A_378, %get3A_379] : memref<128x256xf32, #tpu.memory_space<vmem>>, vector<128x1xf32>
    %add3A_381 = arith.addf %add3A_374, %get3A_380 : vector<128x1xf32>
    %swap3A_382 = arith.constant 0 : index
    %swap3A_383 = arith.constant 52 : index
    %swap3A_384 = vector.load %arg4[%swap3A_382, %swap3A_383] : memref<128x256xf32, #tpu.memory_space<vmem>>, vector<128x1xf32>
    tpu.vector_store %arg4[%swap3A_382, %swap3A_383], %add3A_381 {strides = array<i32>} : memref<128x256xf32, #tpu.memory_space<vmem>>, vector<128x1xf32>,
    %get3A_385 = arith.constant 0 : index
    %get3A_386 = arith.constant 52 : index
    %get3A_387 = vector.load %arg5[%get3A_385, %get3A_386] : memref<128x256xf32, #tpu.memory_space<vmem>>, vector<128x1xf32>
    %add3A_388 = arith.addf %add3A_381, %get3A_387 : vector<128x1xf32>
    %swap3A_389 = arith.constant 0 : index
    %swap3A_390 = arith.constant 53 : index
    %swap3A_391 = vector.load %arg4[%swap3A_389, %swap3A_390] : memref<128x256xf32, #tpu.memory_space<vmem>>, vector<128x1xf32>
    tpu.vector_store %arg4[%swap3A_389, %swap3A_390], %add3A_388 {strides = array<i32>} : memref<128x256xf32, #tpu.memory_space<vmem>>, vector<128x1xf32>,
    %get3A_392 = arith.constant 0 : index
    %get3A_393 = arith.constant 53 : index
    %get3A_394 = vector.load %arg5[%get3A_392, %get3A_393] : memref<128x256xf32, #tpu.memory_space<vmem>>, vector<128x1xf32>
    %add3A_395 = arith.addf %add3A_388, %get3A_394 : vector<128x1xf32>
    %swap3A_396 = arith.constant 0 : index
    %swap3A_397 = arith.constant 54 : index
    %swap3A_398 = vector.load %arg4[%swap3A_396, %swap3A_397] : memref<128x256xf32, #tpu.memory_space<vmem>>, vector<128x1xf32>
    tpu.vector_store %arg4[%swap3A_396, %swap3A_397], %add3A_395 {strides = array<i32>} : memref<128x256xf32, #tpu.memory_space<vmem>>, vector<128x1xf32>,
    %get3A_399 = arith.constant 0 : index
    %get3A_400 = arith.constant 54 : index
    %get3A_401 = vector.load %arg5[%get3A_399, %get3A_400] : memref<128x256xf32, #tpu.memory_space<vmem>>, vector<128x1xf32>
    %add3A_402 = arith.addf %add3A_395, %get3A_401 : vector<128x1xf32>
    %swap3A_403 = arith.constant 0 : index
    %swap3A_404 = arith.constant 55 : index
    %swap3A_405 = vector.load %arg4[%swap3A_403, %swap3A_404] : memref<128x256xf32, #tpu.memory_space<vmem>>, vector<128x1xf32>
    tpu.vector_store %arg4[%swap3A_403, %swap3A_404], %add3A_402 {strides = array<i32>} : memref<128x256xf32, #tpu.memory_space<vmem>>, vector<128x1xf32>,
    %get3A_406 = arith.constant 0 : index
    %get3A_407 = arith.constant 55 : index
    %get3A_408 = vector.load %arg5[%get3A_406, %get3A_407] : memref<128x256xf32, #tpu.memory_space<vmem>>, vector<128x1xf32>
    %add3A_409 = arith.addf %add3A_402, %get3A_408 : vector<128x1xf32>
    %swap3A_410 = arith.constant 0 : index
    %swap3A_411 = arith.constant 56 : index
    %swap3A_412 = vector.load %arg4[%swap3A_410, %swap3A_411] : memref<128x256xf32, #tpu.memory_space<vmem>>, vector<128x1xf32>
    tpu.vector_store %arg4[%swap3A_410, %swap3A_411], %add3A_409 {strides = array<i32>} : memref<128x256xf32, #tpu.memory_space<vmem>>, vector<128x1xf32>,
    %get3A_413 = arith.constant 0 : index
    %get3A_414 = arith.constant 56 : index
    %get3A_415 = vector.load %arg5[%get3A_413, %get3A_414] : memref<128x256xf32, #tpu.memory_space<vmem>>, vector<128x1xf32>
    %add3A_416 = arith.addf %add3A_409, %get3A_415 : vector<128x1xf32>
    %swap3A_417 = arith.constant 0 : index
    %swap3A_418 = arith.constant 57 : index
    %swap3A_419 = vector.load %arg4[%swap3A_417, %swap3A_418] : memref<128x256xf32, #tpu.memory_space<vmem>>, vector<128x1xf32>
    tpu.vector_store %arg4[%swap3A_417, %swap3A_418], %add3A_416 {strides = array<i32>} : memref<128x256xf32, #tpu.memory_space<vmem>>, vector<128x1xf32>,
    %get3A_420 = arith.constant 0 : index
    %get3A_421 = arith.constant 57 : index
    %get3A_422 = vector.load %arg5[%get3A_420, %get3A_421] : memref<128x256xf32, #tpu.memory_space<vmem>>, vector<128x1xf32>
    %add3A_423 = arith.addf %add3A_416, %get3A_422 : vector<128x1xf32>
    %swap3A_424 = arith.constant 0 : index
    %swap3A_425 = arith.constant 58 : index
    %swap3A_426 = vector.load %arg4[%swap3A_424, %swap3A_425] : memref<128x256xf32, #tpu.memory_space<vmem>>, vector<128x1xf32>
    tpu.vector_store %arg4[%swap3A_424, %swap3A_425], %add3A_423 {strides = array<i32>} : memref<128x256xf32, #tpu.memory_space<vmem>>, vector<128x1xf32>,
    %get3A_427 = arith.constant 0 : index
    %get3A_428 = arith.constant 58 : index
    %get3A_429 = vector.load %arg5[%get3A_427, %get3A_428] : memref<128x256xf32, #tpu.memory_space<vmem>>, vector<128x1xf32>
    %add3A_430 = arith.addf %add3A_423, %get3A_429 : vector<128x1xf32>
    %swap3A_431 = arith.constant 0 : index
    %swap3A_432 = arith.constant 59 : index
    %swap3A_433 = vector.load %arg4[%swap3A_431, %swap3A_432] : memref<128x256xf32, #tpu.memory_space<vmem>>, vector<128x1xf32>
    tpu.vector_store %arg4[%swap3A_431, %swap3A_432], %add3A_430 {strides = array<i32>} : memref<128x256xf32, #tpu.memory_space<vmem>>, vector<128x1xf32>,
    %get3A_434 = arith.constant 0 : index
    %get3A_435 = arith.constant 59 : index
    %get3A_436 = vector.load %arg5[%get3A_434, %get3A_435] : memref<128x256xf32, #tpu.memory_space<vmem>>, vector<128x1xf32>
    %add3A_437 = arith.addf %add3A_430, %get3A_436 : vector<128x1xf32>
    %swap3A_438 = arith.constant 0 : index
    %swap3A_439 = arith.constant 60 : index
    %swap3A_440 = vector.load %arg4[%swap3A_438, %swap3A_439] : memref<128x256xf32, #tpu.memory_space<vmem>>, vector<128x1xf32>
    tpu.vector_store %arg4[%swap3A_438, %swap3A_439], %add3A_437 {strides = array<i32>} : memref<128x256xf32, #tpu.memory_space<vmem>>, vector<128x1xf32>,
    %get3A_441 = arith.constant 0 : index
    %get3A_442 = arith.constant 60 : index
    %get3A_443 = vector.load %arg5[%get3A_441, %get3A_442] : memref<128x256xf32, #tpu.memory_space<vmem>>, vector<128x1xf32>
    %add3A_444 = arith.addf %add3A_437, %get3A_443 : vector<128x1xf32>
    %swap3A_445 = arith.constant 0 : index
    %swap3A_446 = arith.constant 61 : index
    %swap3A_447 = vector.load %arg4[%swap3A_445, %swap3A_446] : memref<128x256xf32, #tpu.memory_space<vmem>>, vector<128x1xf32>
    tpu.vector_store %arg4[%swap3A_445, %swap3A_446], %add3A_444 {strides = array<i32>} : memref<128x256xf32, #tpu.memory_space<vmem>>, vector<128x1xf32>,
    %get3A_448 = arith.constant 0 : index
    %get3A_449 = arith.constant 61 : index
    %get3A_450 = vector.load %arg5[%get3A_448, %get3A_449] : memref<128x256xf32, #tpu.memory_space<vmem>>, vector<128x1xf32>
    %add3A_451 = arith.addf %add3A_444, %get3A_450 : vector<128x1xf32>
    %swap3A_452 = arith.constant 0 : index
    %swap3A_453 = arith.constant 62 : index
    %swap3A_454 = vector.load %arg4[%swap3A_452, %swap3A_453] : memref<128x256xf32, #tpu.memory_space<vmem>>, vector<128x1xf32>
    tpu.vector_store %arg4[%swap3A_452, %swap3A_453], %add3A_451 {strides = array<i32>} : memref<128x256xf32, #tpu.memory_space<vmem>>, vector<128x1xf32>,
    %get3A_455 = arith.constant 0 : index
    %get3A_456 = arith.constant 62 : index
    %get3A_457 = vector.load %arg5[%get3A_455, %get3A_456] : memref<128x256xf32, #tpu.memory_space<vmem>>, vector<128x1xf32>
    %add3A_458 = arith.addf %add3A_451, %get3A_457 : vector<128x1xf32>
    %swap3A_459 = arith.constant 0 : index
    %swap3A_460 = arith.constant 63 : index
    %swap3A_461 = vector.load %arg4[%swap3A_459, %swap3A_460] : memref<128x256xf32, #tpu.memory_space<vmem>>, vector<128x1xf32>
    tpu.vector_store %arg4[%swap3A_459, %swap3A_460], %add3A_458 {strides = array<i32>} : memref<128x256xf32, #tpu.memory_space<vmem>>, vector<128x1xf32>,
    %get3A_462 = arith.constant 0 : index
    %get3A_463 = arith.constant 63 : index
    %get3A_464 = vector.load %arg5[%get3A_462, %get3A_463] : memref<128x256xf32, #tpu.memory_space<vmem>>, vector<128x1xf32>
    %add3A_465 = arith.addf %add3A_458, %get3A_464 : vector<128x1xf32>
    %swap3A_466 = arith.constant 0 : index
    %swap3A_467 = arith.constant 64 : index
    %swap3A_468 = vector.load %arg4[%swap3A_466, %swap3A_467] : memref<128x256xf32, #tpu.memory_space<vmem>>, vector<128x1xf32>
    tpu.vector_store %arg4[%swap3A_466, %swap3A_467], %add3A_465 {strides = array<i32>} : memref<128x256xf32, #tpu.memory_space<vmem>>, vector<128x1xf32>,
    %get3A_469 = arith.constant 0 : index
    %get3A_470 = arith.constant 64 : index
    %get3A_471 = vector.load %arg5[%get3A_469, %get3A_470] : memref<128x256xf32, #tpu.memory_space<vmem>>, vector<128x1xf32>
    %add3A_472 = arith.addf %add3A_465, %get3A_471 : vector<128x1xf32>
    %swap3A_473 = arith.constant 0 : index
    %swap3A_474 = arith.constant 65 : index
    %swap3A_475 = vector.load %arg4[%swap3A_473, %swap3A_474] : memref<128x256xf32, #tpu.memory_space<vmem>>, vector<128x1xf32>
    tpu.vector_store %arg4[%swap3A_473, %swap3A_474], %add3A_472 {strides = array<i32>} : memref<128x256xf32, #tpu.memory_space<vmem>>, vector<128x1xf32>,
    %get3A_476 = arith.constant 0 : index
    %get3A_477 = arith.constant 65 : index
    %get3A_478 = vector.load %arg5[%get3A_476, %get3A_477] : memref<128x256xf32, #tpu.memory_space<vmem>>, vector<128x1xf32>
    %add3A_479 = arith.addf %add3A_472, %get3A_478 : vector<128x1xf32>
    %swap3A_480 = arith.constant 0 : index
    %swap3A_481 = arith.constant 66 : index
    %swap3A_482 = vector.load %arg4[%swap3A_480, %swap3A_481] : memref<128x256xf32, #tpu.memory_space<vmem>>, vector<128x1xf32>
    tpu.vector_store %arg4[%swap3A_480, %swap3A_481], %add3A_479 {strides = array<i32>} : memref<128x256xf32, #tpu.memory_space<vmem>>, vector<128x1xf32>,
    %get3A_483 = arith.constant 0 : index
    %get3A_484 = arith.constant 66 : index
    %get3A_485 = vector.load %arg5[%get3A_483, %get3A_484] : memref<128x256xf32, #tpu.memory_space<vmem>>, vector<128x1xf32>
    %add3A_486 = arith.addf %add3A_479, %get3A_485 : vector<128x1xf32>
    %swap3A_487 = arith.constant 0 : index
    %swap3A_488 = arith.constant 67 : index
    %swap3A_489 = vector.load %arg4[%swap3A_487, %swap3A_488] : memref<128x256xf32, #tpu.memory_space<vmem>>, vector<128x1xf32>
    tpu.vector_store %arg4[%swap3A_487, %swap3A_488], %add3A_486 {strides = array<i32>} : memref<128x256xf32, #tpu.memory_space<vmem>>, vector<128x1xf32>,
    %get3A_490 = arith.constant 0 : index
    %get3A_491 = arith.constant 67 : index
    %get3A_492 = vector.load %arg5[%get3A_490, %get3A_491] : memref<128x256xf32, #tpu.memory_space<vmem>>, vector<128x1xf32>
    %add3A_493 = arith.addf %add3A_486, %get3A_492 : vector<128x1xf32>
    %swap3A_494 = arith.constant 0 : index
    %swap3A_495 = arith.constant 68 : index
    %swap3A_496 = vector.load %arg4[%swap3A_494, %swap3A_495] : memref<128x256xf32, #tpu.memory_space<vmem>>, vector<128x1xf32>
    tpu.vector_store %arg4[%swap3A_494, %swap3A_495], %add3A_493 {strides = array<i32>} : memref<128x256xf32, #tpu.memory_space<vmem>>, vector<128x1xf32>,
    %get3A_497 = arith.constant 0 : index
    %get3A_498 = arith.constant 68 : index
    %get3A_499 = vector.load %arg5[%get3A_497, %get3A_498] : memref<128x256xf32, #tpu.memory_space<vmem>>, vector<128x1xf32>
    %add3A_500 = arith.addf %add3A_493, %get3A_499 : vector<128x1xf32>
    %swap3A_501 = arith.constant 0 : index
    %swap3A_502 = arith.constant 69 : index
    %swap3A_503 = vector.load %arg4[%swap3A_501, %swap3A_502] : memref<128x256xf32, #tpu.memory_space<vmem>>, vector<128x1xf32>
    tpu.vector_store %arg4[%swap3A_501, %swap3A_502], %add3A_500 {strides = array<i32>} : memref<128x256xf32, #tpu.memory_space<vmem>>, vector<128x1xf32>,
    %get3A_504 = arith.constant 0 : index
    %get3A_505 = arith.constant 69 : index
    %get3A_506 = vector.load %arg5[%get3A_504, %get3A_505] : memref<128x256xf32, #tpu.memory_space<vmem>>, vector<128x1xf32>
    %add3A_507 = arith.addf %add3A_500, %get3A_506 : vector<128x1xf32>
    %swap3A_508 = arith.constant 0 : index
    %swap3A_509 = arith.constant 70 : index
    %swap3A_510 = vector.load %arg4[%swap3A_508, %swap3A_509] : memref<128x256xf32, #tpu.memory_space<vmem>>, vector<128x1xf32>
    tpu.vector_store %arg4[%swap3A_508, %swap3A_509], %add3A_507 {strides = array<i32>} : memref<128x256xf32, #tpu.memory_space<vmem>>, vector<128x1xf32>,
    %get3A_511 = arith.constant 0 : index
    %get3A_512 = arith.constant 70 : index
    %get3A_513 = vector.load %arg5[%get3A_511, %get3A_512] : memref<128x256xf32, #tpu.memory_space<vmem>>, vector<128x1xf32>
    %add3A_514 = arith.addf %add3A_507, %get3A_513 : vector<128x1xf32>
    %swap3A_515 = arith.constant 0 : index
    %swap3A_516 = arith.constant 71 : index
    %swap3A_517 = vector.load %arg4[%swap3A_515, %swap3A_516] : memref<128x256xf32, #tpu.memory_space<vmem>>, vector<128x1xf32>
    tpu.vector_store %arg4[%swap3A_515, %swap3A_516], %add3A_514 {strides = array<i32>} : memref<128x256xf32, #tpu.memory_space<vmem>>, vector<128x1xf32>,
    %get3A_518 = arith.constant 0 : index
    %get3A_519 = arith.constant 71 : index
    %get3A_520 = vector.load %arg5[%get3A_518, %get3A_519] : memref<128x256xf32, #tpu.memory_space<vmem>>, vector<128x1xf32>
    %add3A_521 = arith.addf %add3A_514, %get3A_520 : vector<128x1xf32>
    %swap3A_522 = arith.constant 0 : index
    %swap3A_523 = arith.constant 72 : index
    %swap3A_524 = vector.load %arg4[%swap3A_522, %swap3A_523] : memref<128x256xf32, #tpu.memory_space<vmem>>, vector<128x1xf32>
    tpu.vector_store %arg4[%swap3A_522, %swap3A_523], %add3A_521 {strides = array<i32>} : memref<128x256xf32, #tpu.memory_space<vmem>>, vector<128x1xf32>,
    %get3A_525 = arith.constant 0 : index
    %get3A_526 = arith.constant 72 : index
    %get3A_527 = vector.load %arg5[%get3A_525, %get3A_526] : memref<128x256xf32, #tpu.memory_space<vmem>>, vector<128x1xf32>
    %add3A_528 = arith.addf %add3A_521, %get3A_527 : vector<128x1xf32>
    %swap3A_529 = arith.constant 0 : index
    %swap3A_530 = arith.constant 73 : index
    %swap3A_531 = vector.load %arg4[%swap3A_529, %swap3A_530] : memref<128x256xf32, #tpu.memory_space<vmem>>, vector<128x1xf32>
    tpu.vector_store %arg4[%swap3A_529, %swap3A_530], %add3A_528 {strides = array<i32>} : memref<128x256xf32, #tpu.memory_space<vmem>>, vector<128x1xf32>,
    %get3A_532 = arith.constant 0 : index
    %get3A_533 = arith.constant 73 : index
    %get3A_534 = vector.load %arg5[%get3A_532, %get3A_533] : memref<128x256xf32, #tpu.memory_space<vmem>>, vector<128x1xf32>
    %add3A_535 = arith.addf %add3A_528, %get3A_534 : vector<128x1xf32>
    %swap3A_536 = arith.constant 0 : index
    %swap3A_537 = arith.constant 74 : index
    %swap3A_538 = vector.load %arg4[%swap3A_536, %swap3A_537] : memref<128x256xf32, #tpu.memory_space<vmem>>, vector<128x1xf32>
    tpu.vector_store %arg4[%swap3A_536, %swap3A_537], %add3A_535 {strides = array<i32>} : memref<128x256xf32, #tpu.memory_space<vmem>>, vector<128x1xf32>,
    %get3A_539 = arith.constant 0 : index
    %get3A_540 = arith.constant 74 : index
    %get3A_541 = vector.load %arg5[%get3A_539, %get3A_540] : memref<128x256xf32, #tpu.memory_space<vmem>>, vector<128x1xf32>
    %add3A_542 = arith.addf %add3A_535, %get3A_541 : vector<128x1xf32>
    %swap3A_543 = arith.constant 0 : index
    %swap3A_544 = arith.constant 75 : index
    %swap3A_545 = vector.load %arg4[%swap3A_543, %swap3A_544] : memref<128x256xf32, #tpu.memory_space<vmem>>, vector<128x1xf32>
    tpu.vector_store %arg4[%swap3A_543, %swap3A_544], %add3A_542 {strides = array<i32>} : memref<128x256xf32, #tpu.memory_space<vmem>>, vector<128x1xf32>,
    %get3A_546 = arith.constant 0 : index
    %get3A_547 = arith.constant 75 : index
    %get3A_548 = vector.load %arg5[%get3A_546, %get3A_547] : memref<128x256xf32, #tpu.memory_space<vmem>>, vector<128x1xf32>
    %add3A_549 = arith.addf %add3A_542, %get3A_548 : vector<128x1xf32>
    %swap3A_550 = arith.constant 0 : index
    %swap3A_551 = arith.constant 76 : index
    %swap3A_552 = vector.load %arg4[%swap3A_550, %swap3A_551] : memref<128x256xf32, #tpu.memory_space<vmem>>, vector<128x1xf32>
    tpu.vector_store %arg4[%swap3A_550, %swap3A_551], %add3A_549 {strides = array<i32>} : memref<128x256xf32, #tpu.memory_space<vmem>>, vector<128x1xf32>,
    %get3A_553 = arith.constant 0 : index
    %get3A_554 = arith.constant 76 : index
    %get3A_555 = vector.load %arg5[%get3A_553, %get3A_554] : memref<128x256xf32, #tpu.memory_space<vmem>>, vector<128x1xf32>
    %add3A_556 = arith.addf %add3A_549, %get3A_555 : vector<128x1xf32>
    %swap3A_557 = arith.constant 0 : index
    %swap3A_558 = arith.constant 77 : index
    %swap3A_559 = vector.load %arg4[%swap3A_557, %swap3A_558] : memref<128x256xf32, #tpu.memory_space<vmem>>, vector<128x1xf32>
    tpu.vector_store %arg4[%swap3A_557, %swap3A_558], %add3A_556 {strides = array<i32>} : memref<128x256xf32, #tpu.memory_space<vmem>>, vector<128x1xf32>,
    %get3A_560 = arith.constant 0 : index
    %get3A_561 = arith.constant 77 : index
    %get3A_562 = vector.load %arg5[%get3A_560, %get3A_561] : memref<128x256xf32, #tpu.memory_space<vmem>>, vector<128x1xf32>
    %add3A_563 = arith.addf %add3A_556, %get3A_562 : vector<128x1xf32>
    %swap3A_564 = arith.constant 0 : index
    %swap3A_565 = arith.constant 78 : index
    %swap3A_566 = vector.load %arg4[%swap3A_564, %swap3A_565] : memref<128x256xf32, #tpu.memory_space<vmem>>, vector<128x1xf32>
    tpu.vector_store %arg4[%swap3A_564, %swap3A_565], %add3A_563 {strides = array<i32>} : memref<128x256xf32, #tpu.memory_space<vmem>>, vector<128x1xf32>,
    %get3A_567 = arith.constant 0 : index
    %get3A_568 = arith.constant 78 : index
    %get3A_569 = vector.load %arg5[%get3A_567, %get3A_568] : memref<128x256xf32, #tpu.memory_space<vmem>>, vector<128x1xf32>
    %add3A_570 = arith.addf %add3A_563, %get3A_569 : vector<128x1xf32>
    %swap3A_571 = arith.constant 0 : index
    %swap3A_572 = arith.constant 79 : index
    %swap3A_573 = vector.load %arg4[%swap3A_571, %swap3A_572] : memref<128x256xf32, #tpu.memory_space<vmem>>, vector<128x1xf32>
    tpu.vector_store %arg4[%swap3A_571, %swap3A_572], %add3A_570 {strides = array<i32>} : memref<128x256xf32, #tpu.memory_space<vmem>>, vector<128x1xf32>,
    %get3A_574 = arith.constant 0 : index
    %get3A_575 = arith.constant 79 : index
    %get3A_576 = vector.load %arg5[%get3A_574, %get3A_575] : memref<128x256xf32, #tpu.memory_space<vmem>>, vector<128x1xf32>
    %add3A_577 = arith.addf %add3A_570, %get3A_576 : vector<128x1xf32>
    %swap3A_578 = arith.constant 0 : index
    %swap3A_579 = arith.constant 80 : index
    %swap3A_580 = vector.load %arg4[%swap3A_578, %swap3A_579] : memref<128x256xf32, #tpu.memory_space<vmem>>, vector<128x1xf32>
    tpu.vector_store %arg4[%swap3A_578, %swap3A_579], %add3A_577 {strides = array<i32>} : memref<128x256xf32, #tpu.memory_space<vmem>>, vector<128x1xf32>,
    %get3A_581 = arith.constant 0 : index
    %get3A_582 = arith.constant 80 : index
    %get3A_583 = vector.load %arg5[%get3A_581, %get3A_582] : memref<128x256xf32, #tpu.memory_space<vmem>>, vector<128x1xf32>
    %add3A_584 = arith.addf %add3A_577, %get3A_583 : vector<128x1xf32>
    %swap3A_585 = arith.constant 0 : index
    %swap3A_586 = arith.constant 81 : index
    %swap3A_587 = vector.load %arg4[%swap3A_585, %swap3A_586] : memref<128x256xf32, #tpu.memory_space<vmem>>, vector<128x1xf32>
    tpu.vector_store %arg4[%swap3A_585, %swap3A_586], %add3A_584 {strides = array<i32>} : memref<128x256xf32, #tpu.memory_space<vmem>>, vector<128x1xf32>,
    %get3A_588 = arith.constant 0 : index
    %get3A_589 = arith.constant 81 : index
    %get3A_590 = vector.load %arg5[%get3A_588, %get3A_589] : memref<128x256xf32, #tpu.memory_space<vmem>>, vector<128x1xf32>
    %add3A_591 = arith.addf %add3A_584, %get3A_590 : vector<128x1xf32>
    %swap3A_592 = arith.constant 0 : index
    %swap3A_593 = arith.constant 82 : index
    %swap3A_594 = vector.load %arg4[%swap3A_592, %swap3A_593] : memref<128x256xf32, #tpu.memory_space<vmem>>, vector<128x1xf32>
    tpu.vector_store %arg4[%swap3A_592, %swap3A_593], %add3A_591 {strides = array<i32>} : memref<128x256xf32, #tpu.memory_space<vmem>>, vector<128x1xf32>,
    %get3A_595 = arith.constant 0 : index
    %get3A_596 = arith.constant 82 : index
    %get3A_597 = vector.load %arg5[%get3A_595, %get3A_596] : memref<128x256xf32, #tpu.memory_space<vmem>>, vector<128x1xf32>
    %add3A_598 = arith.addf %add3A_591, %get3A_597 : vector<128x1xf32>
    %swap3A_599 = arith.constant 0 : index
    %swap3A_600 = arith.constant 83 : index
    %swap3A_601 = vector.load %arg4[%swap3A_599, %swap3A_600] : memref<128x256xf32, #tpu.memory_space<vmem>>, vector<128x1xf32>
    tpu.vector_store %arg4[%swap3A_599, %swap3A_600], %add3A_598 {strides = array<i32>} : memref<128x256xf32, #tpu.memory_space<vmem>>, vector<128x1xf32>,
    %get3A_602 = arith.constant 0 : index
    %get3A_603 = arith.constant 83 : index
    %get3A_604 = vector.load %arg5[%get3A_602, %get3A_603] : memref<128x256xf32, #tpu.memory_space<vmem>>, vector<128x1xf32>
    %add3A_605 = arith.addf %add3A_598, %get3A_604 : vector<128x1xf32>
    %swap3A_606 = arith.constant 0 : index
    %swap3A_607 = arith.constant 84 : index
    %swap3A_608 = vector.load %arg4[%swap3A_606, %swap3A_607] : memref<128x256xf32, #tpu.memory_space<vmem>>, vector<128x1xf32>
    tpu.vector_store %arg4[%swap3A_606, %swap3A_607], %add3A_605 {strides = array<i32>} : memref<128x256xf32, #tpu.memory_space<vmem>>, vector<128x1xf32>,
    %get3A_609 = arith.constant 0 : index
    %get3A_610 = arith.constant 84 : index
    %get3A_611 = vector.load %arg5[%get3A_609, %get3A_610] : memref<128x256xf32, #tpu.memory_space<vmem>>, vector<128x1xf32>
    %add3A_612 = arith.addf %add3A_605, %get3A_611 : vector<128x1xf32>
    %swap3A_613 = arith.constant 0 : index
    %swap3A_614 = arith.constant 85 : index
    %swap3A_615 = vector.load %arg4[%swap3A_613, %swap3A_614] : memref<128x256xf32, #tpu.memory_space<vmem>>, vector<128x1xf32>
    tpu.vector_store %arg4[%swap3A_613, %swap3A_614], %add3A_612 {strides = array<i32>} : memref<128x256xf32, #tpu.memory_space<vmem>>, vector<128x1xf32>,
    %get3A_616 = arith.constant 0 : index
    %get3A_617 = arith.constant 85 : index
    %get3A_618 = vector.load %arg5[%get3A_616, %get3A_617] : memref<128x256xf32, #tpu.memory_space<vmem>>, vector<128x1xf32>
    %add3A_619 = arith.addf %add3A_612, %get3A_618 : vector<128x1xf32>
    %swap3A_620 = arith.constant 0 : index
    %swap3A_621 = arith.constant 86 : index
    %swap3A_622 = vector.load %arg4[%swap3A_620, %swap3A_621] : memref<128x256xf32, #tpu.memory_space<vmem>>, vector<128x1xf32>
    tpu.vector_store %arg4[%swap3A_620, %swap3A_621], %add3A_619 {strides = array<i32>} : memref<128x256xf32, #tpu.memory_space<vmem>>, vector<128x1xf32>,
    %get3A_623 = arith.constant 0 : index
    %get3A_624 = arith.constant 86 : index
    %get3A_625 = vector.load %arg5[%get3A_623, %get3A_624] : memref<128x256xf32, #tpu.memory_space<vmem>>, vector<128x1xf32>
    %add3A_626 = arith.addf %add3A_619, %get3A_625 : vector<128x1xf32>
    %swap3A_627 = arith.constant 0 : index
    %swap3A_628 = arith.constant 87 : index
    %swap3A_629 = vector.load %arg4[%swap3A_627, %swap3A_628] : memref<128x256xf32, #tpu.memory_space<vmem>>, vector<128x1xf32>
    tpu.vector_store %arg4[%swap3A_627, %swap3A_628], %add3A_626 {strides = array<i32>} : memref<128x256xf32, #tpu.memory_space<vmem>>, vector<128x1xf32>,
    %get3A_630 = arith.constant 0 : index
    %get3A_631 = arith.constant 87 : index
    %get3A_632 = vector.load %arg5[%get3A_630, %get3A_631] : memref<128x256xf32, #tpu.memory_space<vmem>>, vector<128x1xf32>
    %add3A_633 = arith.addf %add3A_626, %get3A_632 : vector<128x1xf32>
    %swap3A_634 = arith.constant 0 : index
    %swap3A_635 = arith.constant 88 : index
    %swap3A_636 = vector.load %arg4[%swap3A_634, %swap3A_635] : memref<128x256xf32, #tpu.memory_space<vmem>>, vector<128x1xf32>
    tpu.vector_store %arg4[%swap3A_634, %swap3A_635], %add3A_633 {strides = array<i32>} : memref<128x256xf32, #tpu.memory_space<vmem>>, vector<128x1xf32>,
    %get3A_637 = arith.constant 0 : index
    %get3A_638 = arith.constant 88 : index
    %get3A_639 = vector.load %arg5[%get3A_637, %get3A_638] : memref<128x256xf32, #tpu.memory_space<vmem>>, vector<128x1xf32>
    %add3A_640 = arith.addf %add3A_633, %get3A_639 : vector<128x1xf32>
    %swap3A_641 = arith.constant 0 : index
    %swap3A_642 = arith.constant 89 : index
    %swap3A_643 = vector.load %arg4[%swap3A_641, %swap3A_642] : memref<128x256xf32, #tpu.memory_space<vmem>>, vector<128x1xf32>
    tpu.vector_store %arg4[%swap3A_641, %swap3A_642], %add3A_640 {strides = array<i32>} : memref<128x256xf32, #tpu.memory_space<vmem>>, vector<128x1xf32>,
    %get3A_644 = arith.constant 0 : index
    %get3A_645 = arith.constant 89 : index
    %get3A_646 = vector.load %arg5[%get3A_644, %get3A_645] : memref<128x256xf32, #tpu.memory_space<vmem>>, vector<128x1xf32>
    %add3A_647 = arith.addf %add3A_640, %get3A_646 : vector<128x1xf32>
    %swap3A_648 = arith.constant 0 : index
    %swap3A_649 = arith.constant 90 : index
    %swap3A_650 = vector.load %arg4[%swap3A_648, %swap3A_649] : memref<128x256xf32, #tpu.memory_space<vmem>>, vector<128x1xf32>
    tpu.vector_store %arg4[%swap3A_648, %swap3A_649], %add3A_647 {strides = array<i32>} : memref<128x256xf32, #tpu.memory_space<vmem>>, vector<128x1xf32>,
    %get3A_651 = arith.constant 0 : index
    %get3A_652 = arith.constant 90 : index
    %get3A_653 = vector.load %arg5[%get3A_651, %get3A_652] : memref<128x256xf32, #tpu.memory_space<vmem>>, vector<128x1xf32>
    %add3A_654 = arith.addf %add3A_647, %get3A_653 : vector<128x1xf32>
    %swap3A_655 = arith.constant 0 : index
    %swap3A_656 = arith.constant 91 : index
    %swap3A_657 = vector.load %arg4[%swap3A_655, %swap3A_656] : memref<128x256xf32, #tpu.memory_space<vmem>>, vector<128x1xf32>
    tpu.vector_store %arg4[%swap3A_655, %swap3A_656], %add3A_654 {strides = array<i32>} : memref<128x256xf32, #tpu.memory_space<vmem>>, vector<128x1xf32>,
    %get3A_658 = arith.constant 0 : index
    %get3A_659 = arith.constant 91 : index
    %get3A_660 = vector.load %arg5[%get3A_658, %get3A_659] : memref<128x256xf32, #tpu.memory_space<vmem>>, vector<128x1xf32>
    %add3A_661 = arith.addf %add3A_654, %get3A_660 : vector<128x1xf32>
    %swap3A_662 = arith.constant 0 : index
    %swap3A_663 = arith.constant 92 : index
    %swap3A_664 = vector.load %arg4[%swap3A_662, %swap3A_663] : memref<128x256xf32, #tpu.memory_space<vmem>>, vector<128x1xf32>
    tpu.vector_store %arg4[%swap3A_662, %swap3A_663], %add3A_661 {strides = array<i32>} : memref<128x256xf32, #tpu.memory_space<vmem>>, vector<128x1xf32>,
    %get3A_665 = arith.constant 0 : index
    %get3A_666 = arith.constant 92 : index
    %get3A_667 = vector.load %arg5[%get3A_665, %get3A_666] : memref<128x256xf32, #tpu.memory_space<vmem>>, vector<128x1xf32>
    %add3A_668 = arith.addf %add3A_661, %get3A_667 : vector<128x1xf32>
    %swap3A_669 = arith.constant 0 : index
    %swap3A_670 = arith.constant 93 : index
    %swap3A_671 = vector.load %arg4[%swap3A_669, %swap3A_670] : memref<128x256xf32, #tpu.memory_space<vmem>>, vector<128x1xf32>
    tpu.vector_store %arg4[%swap3A_669, %swap3A_670], %add3A_668 {strides = array<i32>} : memref<128x256xf32, #tpu.memory_space<vmem>>, vector<128x1xf32>,
    %get3A_672 = arith.constant 0 : index
    %get3A_673 = arith.constant 93 : index
    %get3A_674 = vector.load %arg5[%get3A_672, %get3A_673] : memref<128x256xf32, #tpu.memory_space<vmem>>, vector<128x1xf32>
    %add3A_675 = arith.addf %add3A_668, %get3A_674 : vector<128x1xf32>
    %swap3A_676 = arith.constant 0 : index
    %swap3A_677 = arith.constant 94 : index
    %swap3A_678 = vector.load %arg4[%swap3A_676, %swap3A_677] : memref<128x256xf32, #tpu.memory_space<vmem>>, vector<128x1xf32>
    tpu.vector_store %arg4[%swap3A_676, %swap3A_677], %add3A_675 {strides = array<i32>} : memref<128x256xf32, #tpu.memory_space<vmem>>, vector<128x1xf32>,
    %get3A_679 = arith.constant 0 : index
    %get3A_680 = arith.constant 94 : index
    %get3A_681 = vector.load %arg5[%get3A_679, %get3A_680] : memref<128x256xf32, #tpu.memory_space<vmem>>, vector<128x1xf32>
    %add3A_682 = arith.addf %add3A_675, %get3A_681 : vector<128x1xf32>
    %swap3A_683 = arith.constant 0 : index
    %swap3A_684 = arith.constant 95 : index
    %swap3A_685 = vector.load %arg4[%swap3A_683, %swap3A_684] : memref<128x256xf32, #tpu.memory_space<vmem>>, vector<128x1xf32>
    tpu.vector_store %arg4[%swap3A_683, %swap3A_684], %add3A_682 {strides = array<i32>} : memref<128x256xf32, #tpu.memory_space<vmem>>, vector<128x1xf32>,
    %get3A_686 = arith.constant 0 : index
    %get3A_687 = arith.constant 95 : index
    %get3A_688 = vector.load %arg5[%get3A_686, %get3A_687] : memref<128x256xf32, #tpu.memory_space<vmem>>, vector<128x1xf32>
    %add3A_689 = arith.addf %add3A_682, %get3A_688 : vector<128x1xf32>
    %swap3A_690 = arith.constant 0 : index
    %swap3A_691 = arith.constant 96 : index
    %swap3A_692 = vector.load %arg4[%swap3A_690, %swap3A_691] : memref<128x256xf32, #tpu.memory_space<vmem>>, vector<128x1xf32>
    tpu.vector_store %arg4[%swap3A_690, %swap3A_691], %add3A_689 {strides = array<i32>} : memref<128x256xf32, #tpu.memory_space<vmem>>, vector<128x1xf32>,
    %get3A_693 = arith.constant 0 : index
    %get3A_694 = arith.constant 96 : index
    %get3A_695 = vector.load %arg5[%get3A_693, %get3A_694] : memref<128x256xf32, #tpu.memory_space<vmem>>, vector<128x1xf32>
    %add3A_696 = arith.addf %add3A_689, %get3A_695 : vector<128x1xf32>
    %swap3A_697 = arith.constant 0 : index
    %swap3A_698 = arith.constant 97 : index
    %swap3A_699 = vector.load %arg4[%swap3A_697, %swap3A_698] : memref<128x256xf32, #tpu.memory_space<vmem>>, vector<128x1xf32>
    tpu.vector_store %arg4[%swap3A_697, %swap3A_698], %add3A_696 {strides = array<i32>} : memref<128x256xf32, #tpu.memory_space<vmem>>, vector<128x1xf32>,
    %get3A_700 = arith.constant 0 : index
    %get3A_701 = arith.constant 97 : index
    %get3A_702 = vector.load %arg5[%get3A_700, %get3A_701] : memref<128x256xf32, #tpu.memory_space<vmem>>, vector<128x1xf32>
    %add3A_703 = arith.addf %add3A_696, %get3A_702 : vector<128x1xf32>
    %swap3A_704 = arith.constant 0 : index
    %swap3A_705 = arith.constant 98 : index
    %swap3A_706 = vector.load %arg4[%swap3A_704, %swap3A_705] : memref<128x256xf32, #tpu.memory_space<vmem>>, vector<128x1xf32>
    tpu.vector_store %arg4[%swap3A_704, %swap3A_705], %add3A_703 {strides = array<i32>} : memref<128x256xf32, #tpu.memory_space<vmem>>, vector<128x1xf32>,
    %get3A_707 = arith.constant 0 : index
    %get3A_708 = arith.constant 98 : index
    %get3A_709 = vector.load %arg5[%get3A_707, %get3A_708] : memref<128x256xf32, #tpu.memory_space<vmem>>, vector<128x1xf32>
    %add3A_710 = arith.addf %add3A_703, %get3A_709 : vector<128x1xf32>
    %swap3A_711 = arith.constant 0 : index
    %swap3A_712 = arith.constant 99 : index
    %swap3A_713 = vector.load %arg4[%swap3A_711, %swap3A_712] : memref<128x256xf32, #tpu.memory_space<vmem>>, vector<128x1xf32>
    tpu.vector_store %arg4[%swap3A_711, %swap3A_712], %add3A_710 {strides = array<i32>} : memref<128x256xf32, #tpu.memory_space<vmem>>, vector<128x1xf32>,
    %get3A_714 = arith.constant 0 : index
    %get3A_715 = arith.constant 99 : index
    %get3A_716 = vector.load %arg5[%get3A_714, %get3A_715] : memref<128x256xf32, #tpu.memory_space<vmem>>, vector<128x1xf32>
    %add3A_717 = arith.addf %add3A_710, %get3A_716 : vector<128x1xf32>
    %swap3A_718 = arith.constant 0 : index
    %swap3A_719 = arith.constant 100 : index
    %swap3A_720 = vector.load %arg4[%swap3A_718, %swap3A_719] : memref<128x256xf32, #tpu.memory_space<vmem>>, vector<128x1xf32>
    tpu.vector_store %arg4[%swap3A_718, %swap3A_719], %add3A_717 {strides = array<i32>} : memref<128x256xf32, #tpu.memory_space<vmem>>, vector<128x1xf32>,
    %get3A_721 = arith.constant 0 : index
    %get3A_722 = arith.constant 100 : index
    %get3A_723 = vector.load %arg5[%get3A_721, %get3A_722] : memref<128x256xf32, #tpu.memory_space<vmem>>, vector<128x1xf32>
    %add3A_724 = arith.addf %add3A_717, %get3A_723 : vector<128x1xf32>
    %swap3A_725 = arith.constant 0 : index
    %swap3A_726 = arith.constant 101 : index
    %swap3A_727 = vector.load %arg4[%swap3A_725, %swap3A_726] : memref<128x256xf32, #tpu.memory_space<vmem>>, vector<128x1xf32>
    tpu.vector_store %arg4[%swap3A_725, %swap3A_726], %add3A_724 {strides = array<i32>} : memref<128x256xf32, #tpu.memory_space<vmem>>, vector<128x1xf32>,
    %get3A_728 = arith.constant 0 : index
    %get3A_729 = arith.constant 101 : index
    %get3A_730 = vector.load %arg5[%get3A_728, %get3A_729] : memref<128x256xf32, #tpu.memory_space<vmem>>, vector<128x1xf32>
    %add3A_731 = arith.addf %add3A_724, %get3A_730 : vector<128x1xf32>
    %swap3A_732 = arith.constant 0 : index
    %swap3A_733 = arith.constant 102 : index
    %swap3A_734 = vector.load %arg4[%swap3A_732, %swap3A_733] : memref<128x256xf32, #tpu.memory_space<vmem>>, vector<128x1xf32>
    tpu.vector_store %arg4[%swap3A_732, %swap3A_733], %add3A_731 {strides = array<i32>} : memref<128x256xf32, #tpu.memory_space<vmem>>, vector<128x1xf32>,
    %get3A_735 = arith.constant 0 : index
    %get3A_736 = arith.constant 102 : index
    %get3A_737 = vector.load %arg5[%get3A_735, %get3A_736] : memref<128x256xf32, #tpu.memory_space<vmem>>, vector<128x1xf32>
    %add3A_738 = arith.addf %add3A_731, %get3A_737 : vector<128x1xf32>
    %swap3A_739 = arith.constant 0 : index
    %swap3A_740 = arith.constant 103 : index
    %swap3A_741 = vector.load %arg4[%swap3A_739, %swap3A_740] : memref<128x256xf32, #tpu.memory_space<vmem>>, vector<128x1xf32>
    tpu.vector_store %arg4[%swap3A_739, %swap3A_740], %add3A_738 {strides = array<i32>} : memref<128x256xf32, #tpu.memory_space<vmem>>, vector<128x1xf32>,
    %get3A_742 = arith.constant 0 : index
    %get3A_743 = arith.constant 103 : index
    %get3A_744 = vector.load %arg5[%get3A_742, %get3A_743] : memref<128x256xf32, #tpu.memory_space<vmem>>, vector<128x1xf32>
    %add3A_745 = arith.addf %add3A_738, %get3A_744 : vector<128x1xf32>
    %swap3A_746 = arith.constant 0 : index
    %swap3A_747 = arith.constant 104 : index
    %swap3A_748 = vector.load %arg4[%swap3A_746, %swap3A_747] : memref<128x256xf32, #tpu.memory_space<vmem>>, vector<128x1xf32>
    tpu.vector_store %arg4[%swap3A_746, %swap3A_747], %add3A_745 {strides = array<i32>} : memref<128x256xf32, #tpu.memory_space<vmem>>, vector<128x1xf32>,
    %get3A_749 = arith.constant 0 : index
    %get3A_750 = arith.constant 104 : index
    %get3A_751 = vector.load %arg5[%get3A_749, %get3A_750] : memref<128x256xf32, #tpu.memory_space<vmem>>, vector<128x1xf32>
    %add3A_752 = arith.addf %add3A_745, %get3A_751 : vector<128x1xf32>
    %swap3A_753 = arith.constant 0 : index
    %swap3A_754 = arith.constant 105 : index
    %swap3A_755 = vector.load %arg4[%swap3A_753, %swap3A_754] : memref<128x256xf32, #tpu.memory_space<vmem>>, vector<128x1xf32>
    tpu.vector_store %arg4[%swap3A_753, %swap3A_754], %add3A_752 {strides = array<i32>} : memref<128x256xf32, #tpu.memory_space<vmem>>, vector<128x1xf32>,
    %get3A_756 = arith.constant 0 : index
    %get3A_757 = arith.constant 105 : index
    %get3A_758 = vector.load %arg5[%get3A_756, %get3A_757] : memref<128x256xf32, #tpu.memory_space<vmem>>, vector<128x1xf32>
    %add3A_759 = arith.addf %add3A_752, %get3A_758 : vector<128x1xf32>
    %swap3A_760 = arith.constant 0 : index
    %swap3A_761 = arith.constant 106 : index
    %swap3A_762 = vector.load %arg4[%swap3A_760, %swap3A_761] : memref<128x256xf32, #tpu.memory_space<vmem>>, vector<128x1xf32>
    tpu.vector_store %arg4[%swap3A_760, %swap3A_761], %add3A_759 {strides = array<i32>} : memref<128x256xf32, #tpu.memory_space<vmem>>, vector<128x1xf32>,
    %get3A_763 = arith.constant 0 : index
    %get3A_764 = arith.constant 106 : index
    %get3A_765 = vector.load %arg5[%get3A_763, %get3A_764] : memref<128x256xf32, #tpu.memory_space<vmem>>, vector<128x1xf32>
    %add3A_766 = arith.addf %add3A_759, %get3A_765 : vector<128x1xf32>
    %swap3A_767 = arith.constant 0 : index
    %swap3A_768 = arith.constant 107 : index
    %swap3A_769 = vector.load %arg4[%swap3A_767, %swap3A_768] : memref<128x256xf32, #tpu.memory_space<vmem>>, vector<128x1xf32>
    tpu.vector_store %arg4[%swap3A_767, %swap3A_768], %add3A_766 {strides = array<i32>} : memref<128x256xf32, #tpu.memory_space<vmem>>, vector<128x1xf32>,
    %get3A_770 = arith.constant 0 : index
    %get3A_771 = arith.constant 107 : index
    %get3A_772 = vector.load %arg5[%get3A_770, %get3A_771] : memref<128x256xf32, #tpu.memory_space<vmem>>, vector<128x1xf32>
    %add3A_773 = arith.addf %add3A_766, %get3A_772 : vector<128x1xf32>
    %swap3A_774 = arith.constant 0 : index
    %swap3A_775 = arith.constant 108 : index
    %swap3A_776 = vector.load %arg4[%swap3A_774, %swap3A_775] : memref<128x256xf32, #tpu.memory_space<vmem>>, vector<128x1xf32>
    tpu.vector_store %arg4[%swap3A_774, %swap3A_775], %add3A_773 {strides = array<i32>} : memref<128x256xf32, #tpu.memory_space<vmem>>, vector<128x1xf32>,
    %get3A_777 = arith.constant 0 : index
    %get3A_778 = arith.constant 108 : index
    %get3A_779 = vector.load %arg5[%get3A_777, %get3A_778] : memref<128x256xf32, #tpu.memory_space<vmem>>, vector<128x1xf32>
    %add3A_780 = arith.addf %add3A_773, %get3A_779 : vector<128x1xf32>
    %swap3A_781 = arith.constant 0 : index
    %swap3A_782 = arith.constant 109 : index
    %swap3A_783 = vector.load %arg4[%swap3A_781, %swap3A_782] : memref<128x256xf32, #tpu.memory_space<vmem>>, vector<128x1xf32>
    tpu.vector_store %arg4[%swap3A_781, %swap3A_782], %add3A_780 {strides = array<i32>} : memref<128x256xf32, #tpu.memory_space<vmem>>, vector<128x1xf32>,
    %get3A_784 = arith.constant 0 : index
    %get3A_785 = arith.constant 109 : index
    %get3A_786 = vector.load %arg5[%get3A_784, %get3A_785] : memref<128x256xf32, #tpu.memory_space<vmem>>, vector<128x1xf32>
    %add3A_787 = arith.addf %add3A_780, %get3A_786 : vector<128x1xf32>
    %swap3A_788 = arith.constant 0 : index
    %swap3A_789 = arith.constant 110 : index
    %swap3A_790 = vector.load %arg4[%swap3A_788, %swap3A_789] : memref<128x256xf32, #tpu.memory_space<vmem>>, vector<128x1xf32>
    tpu.vector_store %arg4[%swap3A_788, %swap3A_789], %add3A_787 {strides = array<i32>} : memref<128x256xf32, #tpu.memory_space<vmem>>, vector<128x1xf32>,
    %get3A_791 = arith.constant 0 : index
    %get3A_792 = arith.constant 110 : index
    %get3A_793 = vector.load %arg5[%get3A_791, %get3A_792] : memref<128x256xf32, #tpu.memory_space<vmem>>, vector<128x1xf32>
    %add3A_794 = arith.addf %add3A_787, %get3A_793 : vector<128x1xf32>
    %swap3A_795 = arith.constant 0 : index
    %swap3A_796 = arith.constant 111 : index
    %swap3A_797 = vector.load %arg4[%swap3A_795, %swap3A_796] : memref<128x256xf32, #tpu.memory_space<vmem>>, vector<128x1xf32>
    tpu.vector_store %arg4[%swap3A_795, %swap3A_796], %add3A_794 {strides = array<i32>} : memref<128x256xf32, #tpu.memory_space<vmem>>, vector<128x1xf32>,
    %get3A_798 = arith.constant 0 : index
    %get3A_799 = arith.constant 111 : index
    %get3A_800 = vector.load %arg5[%get3A_798, %get3A_799] : memref<128x256xf32, #tpu.memory_space<vmem>>, vector<128x1xf32>
    %add3A_801 = arith.addf %add3A_794, %get3A_800 : vector<128x1xf32>
    %swap3A_802 = arith.constant 0 : index
    %swap3A_803 = arith.constant 112 : index
    %swap3A_804 = vector.load %arg4[%swap3A_802, %swap3A_803] : memref<128x256xf32, #tpu.memory_space<vmem>>, vector<128x1xf32>
    tpu.vector_store %arg4[%swap3A_802, %swap3A_803], %add3A_801 {strides = array<i32>} : memref<128x256xf32, #tpu.memory_space<vmem>>, vector<128x1xf32>,
    %get3A_805 = arith.constant 0 : index
    %get3A_806 = arith.constant 112 : index
    %get3A_807 = vector.load %arg5[%get3A_805, %get3A_806] : memref<128x256xf32, #tpu.memory_space<vmem>>, vector<128x1xf32>
    %add3A_808 = arith.addf %add3A_801, %get3A_807 : vector<128x1xf32>
    %swap3A_809 = arith.constant 0 : index
    %swap3A_810 = arith.constant 113 : index
    %swap3A_811 = vector.load %arg4[%swap3A_809, %swap3A_810] : memref<128x256xf32, #tpu.memory_space<vmem>>, vector<128x1xf32>
    tpu.vector_store %arg4[%swap3A_809, %swap3A_810], %add3A_808 {strides = array<i32>} : memref<128x256xf32, #tpu.memory_space<vmem>>, vector<128x1xf32>,
    %get3A_812 = arith.constant 0 : index
    %get3A_813 = arith.constant 113 : index
    %get3A_814 = vector.load %arg5[%get3A_812, %get3A_813] : memref<128x256xf32, #tpu.memory_space<vmem>>, vector<128x1xf32>
    %add3A_815 = arith.addf %add3A_808, %get3A_814 : vector<128x1xf32>
    %swap3A_816 = arith.constant 0 : index
    %swap3A_817 = arith.constant 114 : index
    %swap3A_818 = vector.load %arg4[%swap3A_816, %swap3A_817] : memref<128x256xf32, #tpu.memory_space<vmem>>, vector<128x1xf32>
    tpu.vector_store %arg4[%swap3A_816, %swap3A_817], %add3A_815 {strides = array<i32>} : memref<128x256xf32, #tpu.memory_space<vmem>>, vector<128x1xf32>,
    %get3A_819 = arith.constant 0 : index
    %get3A_820 = arith.constant 114 : index
    %get3A_821 = vector.load %arg5[%get3A_819, %get3A_820] : memref<128x256xf32, #tpu.memory_space<vmem>>, vector<128x1xf32>
    %add3A_822 = arith.addf %add3A_815, %get3A_821 : vector<128x1xf32>
    %swap3A_823 = arith.constant 0 : index
    %swap3A_824 = arith.constant 115 : index
    %swap3A_825 = vector.load %arg4[%swap3A_823, %swap3A_824] : memref<128x256xf32, #tpu.memory_space<vmem>>, vector<128x1xf32>
    tpu.vector_store %arg4[%swap3A_823, %swap3A_824], %add3A_822 {strides = array<i32>} : memref<128x256xf32, #tpu.memory_space<vmem>>, vector<128x1xf32>,
    %get3A_826 = arith.constant 0 : index
    %get3A_827 = arith.constant 115 : index
    %get3A_828 = vector.load %arg5[%get3A_826, %get3A_827] : memref<128x256xf32, #tpu.memory_space<vmem>>, vector<128x1xf32>
    %add3A_829 = arith.addf %add3A_822, %get3A_828 : vector<128x1xf32>
    %swap3A_830 = arith.constant 0 : index
    %swap3A_831 = arith.constant 116 : index
    %swap3A_832 = vector.load %arg4[%swap3A_830, %swap3A_831] : memref<128x256xf32, #tpu.memory_space<vmem>>, vector<128x1xf32>
    tpu.vector_store %arg4[%swap3A_830, %swap3A_831], %add3A_829 {strides = array<i32>} : memref<128x256xf32, #tpu.memory_space<vmem>>, vector<128x1xf32>,
    %get3A_833 = arith.constant 0 : index
    %get3A_834 = arith.constant 116 : index
    %get3A_835 = vector.load %arg5[%get3A_833, %get3A_834] : memref<128x256xf32, #tpu.memory_space<vmem>>, vector<128x1xf32>
    %add3A_836 = arith.addf %add3A_829, %get3A_835 : vector<128x1xf32>
    %swap3A_837 = arith.constant 0 : index
    %swap3A_838 = arith.constant 117 : index
    %swap3A_839 = vector.load %arg4[%swap3A_837, %swap3A_838] : memref<128x256xf32, #tpu.memory_space<vmem>>, vector<128x1xf32>
    tpu.vector_store %arg4[%swap3A_837, %swap3A_838], %add3A_836 {strides = array<i32>} : memref<128x256xf32, #tpu.memory_space<vmem>>, vector<128x1xf32>,
    %get3A_840 = arith.constant 0 : index
    %get3A_841 = arith.constant 117 : index
    %get3A_842 = vector.load %arg5[%get3A_840, %get3A_841] : memref<128x256xf32, #tpu.memory_space<vmem>>, vector<128x1xf32>
    %add3A_843 = arith.addf %add3A_836, %get3A_842 : vector<128x1xf32>
    %swap3A_844 = arith.constant 0 : index
    %swap3A_845 = arith.constant 118 : index
    %swap3A_846 = vector.load %arg4[%swap3A_844, %swap3A_845] : memref<128x256xf32, #tpu.memory_space<vmem>>, vector<128x1xf32>
    tpu.vector_store %arg4[%swap3A_844, %swap3A_845], %add3A_843 {strides = array<i32>} : memref<128x256xf32, #tpu.memory_space<vmem>>, vector<128x1xf32>,
    %get3A_847 = arith.constant 0 : index
    %get3A_848 = arith.constant 118 : index
    %get3A_849 = vector.load %arg5[%get3A_847, %get3A_848] : memref<128x256xf32, #tpu.memory_space<vmem>>, vector<128x1xf32>
    %add3A_850 = arith.addf %add3A_843, %get3A_849 : vector<128x1xf32>
    %swap3A_851 = arith.constant 0 : index
    %swap3A_852 = arith.constant 119 : index
    %swap3A_853 = vector.load %arg4[%swap3A_851, %swap3A_852] : memref<128x256xf32, #tpu.memory_space<vmem>>, vector<128x1xf32>
    tpu.vector_store %arg4[%swap3A_851, %swap3A_852], %add3A_850 {strides = array<i32>} : memref<128x256xf32, #tpu.memory_space<vmem>>, vector<128x1xf32>,
    %get3A_854 = arith.constant 0 : index
    %get3A_855 = arith.constant 119 : index
    %get3A_856 = vector.load %arg5[%get3A_854, %get3A_855] : memref<128x256xf32, #tpu.memory_space<vmem>>, vector<128x1xf32>
    %add3A_857 = arith.addf %add3A_850, %get3A_856 : vector<128x1xf32>
    %swap3A_858 = arith.constant 0 : index
    %swap3A_859 = arith.constant 120 : index
    %swap3A_860 = vector.load %arg4[%swap3A_858, %swap3A_859] : memref<128x256xf32, #tpu.memory_space<vmem>>, vector<128x1xf32>
    tpu.vector_store %arg4[%swap3A_858, %swap3A_859], %add3A_857 {strides = array<i32>} : memref<128x256xf32, #tpu.memory_space<vmem>>, vector<128x1xf32>,
    %get3A_861 = arith.constant 0 : index
    %get3A_862 = arith.constant 120 : index
    %get3A_863 = vector.load %arg5[%get3A_861, %get3A_862] : memref<128x256xf32, #tpu.memory_space<vmem>>, vector<128x1xf32>
    %add3A_864 = arith.addf %add3A_857, %get3A_863 : vector<128x1xf32>
    %swap3A_865 = arith.constant 0 : index
    %swap3A_866 = arith.constant 121 : index
    %swap3A_867 = vector.load %arg4[%swap3A_865, %swap3A_866] : memref<128x256xf32, #tpu.memory_space<vmem>>, vector<128x1xf32>
    tpu.vector_store %arg4[%swap3A_865, %swap3A_866], %add3A_864 {strides = array<i32>} : memref<128x256xf32, #tpu.memory_space<vmem>>, vector<128x1xf32>,
    %get3A_868 = arith.constant 0 : index
    %get3A_869 = arith.constant 121 : index
    %get3A_870 = vector.load %arg5[%get3A_868, %get3A_869] : memref<128x256xf32, #tpu.memory_space<vmem>>, vector<128x1xf32>
    %add3A_871 = arith.addf %add3A_864, %get3A_870 : vector<128x1xf32>
    %swap3A_872 = arith.constant 0 : index
    %swap3A_873 = arith.constant 122 : index
    %swap3A_874 = vector.load %arg4[%swap3A_872, %swap3A_873] : memref<128x256xf32, #tpu.memory_space<vmem>>, vector<128x1xf32>
    tpu.vector_store %arg4[%swap3A_872, %swap3A_873], %add3A_871 {strides = array<i32>} : memref<128x256xf32, #tpu.memory_space<vmem>>, vector<128x1xf32>,
    %get3A_875 = arith.constant 0 : index
    %get3A_876 = arith.constant 122 : index
    %get3A_877 = vector.load %arg5[%get3A_875, %get3A_876] : memref<128x256xf32, #tpu.memory_space<vmem>>, vector<128x1xf32>
    %add3A_878 = arith.addf %add3A_871, %get3A_877 : vector<128x1xf32>
    %swap3A_879 = arith.constant 0 : index
    %swap3A_880 = arith.constant 123 : index
    %swap3A_881 = vector.load %arg4[%swap3A_879, %swap3A_880] : memref<128x256xf32, #tpu.memory_space<vmem>>, vector<128x1xf32>
    tpu.vector_store %arg4[%swap3A_879, %swap3A_880], %add3A_878 {strides = array<i32>} : memref<128x256xf32, #tpu.memory_space<vmem>>, vector<128x1xf32>,
    %get3A_882 = arith.constant 0 : index
    %get3A_883 = arith.constant 123 : index
    %get3A_884 = vector.load %arg5[%get3A_882, %get3A_883] : memref<128x256xf32, #tpu.memory_space<vmem>>, vector<128x1xf32>
    %add3A_885 = arith.addf %add3A_878, %get3A_884 : vector<128x1xf32>
    %swap3A_886 = arith.constant 0 : index
    %swap3A_887 = arith.constant 124 : index
    %swap3A_888 = vector.load %arg4[%swap3A_886, %swap3A_887] : memref<128x256xf32, #tpu.memory_space<vmem>>, vector<128x1xf32>
    tpu.vector_store %arg4[%swap3A_886, %swap3A_887], %add3A_885 {strides = array<i32>} : memref<128x256xf32, #tpu.memory_space<vmem>>, vector<128x1xf32>,
    %get3A_889 = arith.constant 0 : index
    %get3A_890 = arith.constant 124 : index
    %get3A_891 = vector.load %arg5[%get3A_889, %get3A_890] : memref<128x256xf32, #tpu.memory_space<vmem>>, vector<128x1xf32>
    %add3A_892 = arith.addf %add3A_885, %get3A_891 : vector<128x1xf32>
    %swap3A_893 = arith.constant 0 : index
    %swap3A_894 = arith.constant 125 : index
    %swap3A_895 = vector.load %arg4[%swap3A_893, %swap3A_894] : memref<128x256xf32, #tpu.memory_space<vmem>>, vector<128x1xf32>
    tpu.vector_store %arg4[%swap3A_893, %swap3A_894], %add3A_892 {strides = array<i32>} : memref<128x256xf32, #tpu.memory_space<vmem>>, vector<128x1xf32>,
    %get3A_896 = arith.constant 0 : index
    %get3A_897 = arith.constant 125 : index
    %get3A_898 = vector.load %arg5[%get3A_896, %get3A_897] : memref<128x256xf32, #tpu.memory_space<vmem>>, vector<128x1xf32>
    %add3A_899 = arith.addf %add3A_892, %get3A_898 : vector<128x1xf32>
    %swap3A_900 = arith.constant 0 : index
    %swap3A_901 = arith.constant 126 : index
    %swap3A_902 = vector.load %arg4[%swap3A_900, %swap3A_901] : memref<128x256xf32, #tpu.memory_space<vmem>>, vector<128x1xf32>
    tpu.vector_store %arg4[%swap3A_900, %swap3A_901], %add3A_899 {strides = array<i32>} : memref<128x256xf32, #tpu.memory_space<vmem>>, vector<128x1xf32>,
    %get3A_903 = arith.constant 0 : index
    %get3A_904 = arith.constant 126 : index
    %get3A_905 = vector.load %arg5[%get3A_903, %get3A_904] : memref<128x256xf32, #tpu.memory_space<vmem>>, vector<128x1xf32>
    %add3A_906 = arith.addf %add3A_899, %get3A_905 : vector<128x1xf32>
    %swap3A_907 = arith.constant 0 : index
    %swap3A_908 = arith.constant 127 : index
    %swap3A_909 = vector.load %arg4[%swap3A_907, %swap3A_908] : memref<128x256xf32, #tpu.memory_space<vmem>>, vector<128x1xf32>
    tpu.vector_store %arg4[%swap3A_907, %swap3A_908], %add3A_906 {strides = array<i32>} : memref<128x256xf32, #tpu.memory_space<vmem>>, vector<128x1xf32>,
    %get3A_910 = arith.constant 0 : index
    %get3A_911 = arith.constant 127 : index
    %get3A_912 = vector.load %arg5[%get3A_910, %get3A_911] : memref<128x256xf32, #tpu.memory_space<vmem>>, vector<128x1xf32>
    %add3A_913 = arith.addf %add3A_906, %get3A_912 : vector<128x1xf32>
    %broadcast_in_dim3A_914 = arith.constant 0.000000e+00 : f32
    %broadcast_in_dim3A_915 = vector.broadcast %broadcast_in_dim3A_914 : f32 to vector<128x1xf32>
    %add3A_916 = arith.addf %broadcast_in_dim3A_915, %add3A_913 : vector<128x1xf32>
    %swap3A_917 = arith.constant 0 : index
    %swap3A_918 = arith.constant 128 : index
    %swap3A_919 = vector.load %arg4[%swap3A_917, %swap3A_918] : memref<128x256xf32, #tpu.memory_space<vmem>>, vector<128x1xf32>
    tpu.vector_store %arg4[%swap3A_917, %swap3A_918], %add3A_916 {strides = array<i32>} : memref<128x256xf32, #tpu.memory_space<vmem>>, vector<128x1xf32>,
    %get3A_920 = arith.constant 0 : index
    %get3A_921 = arith.constant 128 : index
    %get3A_922 = vector.load %arg5[%get3A_920, %get3A_921] : memref<128x256xf32, #tpu.memory_space<vmem>>, vector<128x1xf32>
    %add3A_923 = arith.addf %broadcast_in_dim3A_915, %get3A_922 : vector<128x1xf32>
    %add3A_924 = arith.addf %add3A_923, %add3A_913 : vector<128x1xf32>
    %swap3A_925 = arith.constant 0 : index
    %swap3A_926 = arith.constant 129 : index
    %swap3A_927 = vector.load %arg4[%swap3A_925, %swap3A_926] : memref<128x256xf32, #tpu.memory_space<vmem>>, vector<128x1xf32>
    tpu.vector_store %arg4[%swap3A_925, %swap3A_926], %add3A_924 {strides = array<i32>} : memref<128x256xf32, #tpu.memory_space<vmem>>, vector<128x1xf32>,
    %get3A_928 = arith.constant 0 : index
    %get3A_929 = arith.constant 129 : index
    %get3A_930 = vector.load %arg5[%get3A_928, %get3A_929] : memref<128x256xf32, #tpu.memory_space<vmem>>, vector<128x1xf32>
    %add3A_931 = arith.addf %add3A_923, %get3A_930 : vector<128x1xf32>
    %add3A_932 = arith.addf %add3A_931, %add3A_913 : vector<128x1xf32>
    %swap3A_933 = arith.constant 0 : index
    %swap3A_934 = arith.constant 130 : index
    %swap3A_935 = vector.load %arg4[%swap3A_933, %swap3A_934] : memref<128x256xf32, #tpu.memory_space<vmem>>, vector<128x1xf32>
    tpu.vector_store %arg4[%swap3A_933, %swap3A_934], %add3A_932 {strides = array<i32>} : memref<128x256xf32, #tpu.memory_space<vmem>>, vector<128x1xf32>,
    %get3A_936 = arith.constant 0 : index
    %get3A_937 = arith.constant 130 : index
    %get3A_938 = vector.load %arg5[%get3A_936, %get3A_937] : memref<128x256xf32, #tpu.memory_space<vmem>>, vector<128x1xf32>
    %add3A_939 = arith.addf %add3A_931, %get3A_938 : vector<128x1xf32>
    %add3A_940 = arith.addf %add3A_939, %add3A_913 : vector<128x1xf32>
    %swap3A_941 = arith.constant 0 : index
    %swap3A_942 = arith.constant 131 : index
    %swap3A_943 = vector.load %arg4[%swap3A_941, %swap3A_942] : memref<128x256xf32, #tpu.memory_space<vmem>>, vector<128x1xf32>
    tpu.vector_store %arg4[%swap3A_941, %swap3A_942], %add3A_940 {strides = array<i32>} : memref<128x256xf32, #tpu.memory_space<vmem>>, vector<128x1xf32>,
    %get3A_944 = arith.constant 0 : index
    %get3A_945 = arith.constant 131 : index
    %get3A_946 = vector.load %arg5[%get3A_944, %get3A_945] : memref<128x256xf32, #tpu.memory_space<vmem>>, vector<128x1xf32>
    %add3A_947 = arith.addf %add3A_939, %get3A_946 : vector<128x1xf32>
    %add3A_948 = arith.addf %add3A_947, %add3A_913 : vector<128x1xf32>
    %swap3A_949 = arith.constant 0 : index
    %swap3A_950 = arith.constant 132 : index
    %swap3A_951 = vector.load %arg4[%swap3A_949, %swap3A_950] : memref<128x256xf32, #tpu.memory_space<vmem>>, vector<128x1xf32>
    tpu.vector_store %arg4[%swap3A_949, %swap3A_950], %add3A_948 {strides = array<i32>} : memref<128x256xf32, #tpu.memory_space<vmem>>, vector<128x1xf32>,
    %get3A_952 = arith.constant 0 : index
    %get3A_953 = arith.constant 132 : index
    %get3A_954 = vector.load %arg5[%get3A_952, %get3A_953] : memref<128x256xf32, #tpu.memory_space<vmem>>, vector<128x1xf32>
    %add3A_955 = arith.addf %add3A_947, %get3A_954 : vector<128x1xf32>
    %add3A_956 = arith.addf %add3A_955, %add3A_913 : vector<128x1xf32>
    %swap3A_957 = arith.constant 0 : index
    %swap3A_958 = arith.constant 133 : index
    %swap3A_959 = vector.load %arg4[%swap3A_957, %swap3A_958] : memref<128x256xf32, #tpu.memory_space<vmem>>, vector<128x1xf32>
    tpu.vector_store %arg4[%swap3A_957, %swap3A_958], %add3A_956 {strides = array<i32>} : memref<128x256xf32, #tpu.memory_space<vmem>>, vector<128x1xf32>,
    %get3A_960 = arith.constant 0 : index
    %get3A_961 = arith.constant 133 : index
    %get3A_962 = vector.load %arg5[%get3A_960, %get3A_961] : memref<128x256xf32, #tpu.memory_space<vmem>>, vector<128x1xf32>
    %add3A_963 = arith.addf %add3A_955, %get3A_962 : vector<128x1xf32>
    %add3A_964 = arith.addf %add3A_963, %add3A_913 : vector<128x1xf32>
    %swap3A_965 = arith.constant 0 : index
    %swap3A_966 = arith.constant 134 : index
    %swap3A_967 = vector.load %arg4[%swap3A_965, %swap3A_966] : memref<128x256xf32, #tpu.memory_space<vmem>>, vector<128x1xf32>
    tpu.vector_store %arg4[%swap3A_965, %swap3A_966], %add3A_964 {strides = array<i32>} : memref<128x256xf32, #tpu.memory_space<vmem>>, vector<128x1xf32>,
    %get3A_968 = arith.constant 0 : index
    %get3A_969 = arith.constant 134 : index
    %get3A_970 = vector.load %arg5[%get3A_968, %get3A_969] : memref<128x256xf32, #tpu.memory_space<vmem>>, vector<128x1xf32>
    %add3A_971 = arith.addf %add3A_963, %get3A_970 : vector<128x1xf32>
    %add3A_972 = arith.addf %add3A_971, %add3A_913 : vector<128x1xf32>
    %swap3A_973 = arith.constant 0 : index
    %swap3A_974 = arith.constant 135 : index
    %swap3A_975 = vector.load %arg4[%swap3A_973, %swap3A_974] : memref<128x256xf32, #tpu.memory_space<vmem>>, vector<128x1xf32>
    tpu.vector_store %arg4[%swap3A_973, %swap3A_974], %add3A_972 {strides = array<i32>} : memref<128x256xf32, #tpu.memory_space<vmem>>, vector<128x1xf32>,
    %get3A_976 = arith.constant 0 : index
    %get3A_977 = arith.constant 135 : index
    %get3A_978 = vector.load %arg5[%get3A_976, %get3A_977] : memref<128x256xf32, #tpu.memory_space<vmem>>, vector<128x1xf32>
    %add3A_979 = arith.addf %add3A_971, %get3A_978 : vector<128x1xf32>
    %add3A_980 = arith.addf %add3A_979, %add3A_913 : vector<128x1xf32>
    %swap3A_981 = arith.constant 0 : index
    %swap3A_982 = arith.constant 136 : index
    %swap3A_983 = vector.load %arg4[%swap3A_981, %swap3A_982] : memref<128x256xf32, #tpu.memory_space<vmem>>, vector<128x1xf32>
    tpu.vector_store %arg4[%swap3A_981, %swap3A_982], %add3A_980 {strides = array<i32>} : memref<128x256xf32, #tpu.memory_space<vmem>>, vector<128x1xf32>,
    %get3A_984 = arith.constant 0 : index
    %get3A_985 = arith.constant 136 : index
    %get3A_986 = vector.load %arg5[%get3A_984, %get3A_985] : memref<128x256xf32, #tpu.memory_space<vmem>>, vector<128x1xf32>
    %add3A_987 = arith.addf %add3A_979, %get3A_986 : vector<128x1xf32>
    %add3A_988 = arith.addf %add3A_987, %add3A_913 : vector<128x1xf32>
    %swap3A_989 = arith.constant 0 : index
    %swap3A_990 = arith.constant 137 : index
    %swap3A_991 = vector.load %arg4[%swap3A_989, %swap3A_990] : memref<128x256xf32, #tpu.memory_space<vmem>>, vector<128x1xf32>
    tpu.vector_store %arg4[%swap3A_989, %swap3A_990], %add3A_988 {strides = array<i32>} : memref<128x256xf32, #tpu.memory_space<vmem>>, vector<128x1xf32>,
    %get3A_992 = arith.constant 0 : index
    %get3A_993 = arith.constant 137 : index
    %get3A_994 = vector.load %arg5[%get3A_992, %get3A_993] : memref<128x256xf32, #tpu.memory_space<vmem>>, vector<128x1xf32>
    %add3A_995 = arith.addf %add3A_987, %get3A_994 : vector<128x1xf32>
    %add3A_996 = arith.addf %add3A_995, %add3A_913 : vector<128x1xf32>
    %swap3A_997 = arith.constant 0 : index
    %swap3A_998 = arith.constant 138 : index
    %swap3A_999 = vector.load %arg4[%swap3A_997, %swap3A_998] : memref<128x256xf32, #tpu.memory_space<vmem>>, vector<128x1xf32>
    tpu.vector_store %arg4[%swap3A_997, %swap3A_998], %add3A_996 {strides = array<i32>} : memref<128x256xf32, #tpu.memory_space<vmem>>, vector<128x1xf32>,
    %get3A_1000 = arith.constant 0 : index
    %get3A_1001 = arith.constant 138 : index
    %get3A_1002 = vector.load %arg5[%get3A_1000, %get3A_1001] : memref<128x256xf32, #tpu.memory_space<vmem>>, vector<128x1xf32>
    %add3A_1003 = arith.addf %add3A_995, %get3A_1002 : vector<128x1xf32>
    %add3A_1004 = arith.addf %add3A_1003, %add3A_913 : vector<128x1xf32>
    %swap3A_1005 = arith.constant 0 : index
    %swap3A_1006 = arith.constant 139 : index
    %swap3A_1007 = vector.load %arg4[%swap3A_1005, %swap3A_1006] : memref<128x256xf32, #tpu.memory_space<vmem>>, vector<128x1xf32>
    tpu.vector_store %arg4[%swap3A_1005, %swap3A_1006], %add3A_1004 {strides = array<i32>} : memref<128x256xf32, #tpu.memory_space<vmem>>, vector<128x1xf32>,
    %get3A_1008 = arith.constant 0 : index
    %get3A_1009 = arith.constant 139 : index
    %get3A_1010 = vector.load %arg5[%get3A_1008, %get3A_1009] : memref<128x256xf32, #tpu.memory_space<vmem>>, vector<128x1xf32>
    %add3A_1011 = arith.addf %add3A_1003, %get3A_1010 : vector<128x1xf32>
    %add3A_1012 = arith.addf %add3A_1011, %add3A_913 : vector<128x1xf32>
    %swap3A_1013 = arith.constant 0 : index
    %swap3A_1014 = arith.constant 140 : index
    %swap3A_1015 = vector.load %arg4[%swap3A_1013, %swap3A_1014] : memref<128x256xf32, #tpu.memory_space<vmem>>, vector<128x1xf32>
    tpu.vector_store %arg4[%swap3A_1013, %swap3A_1014], %add3A_1012 {strides = array<i32>} : memref<128x256xf32, #tpu.memory_space<vmem>>, vector<128x1xf32>,
    %get3A_1016 = arith.constant 0 : index
    %get3A_1017 = arith.constant 140 : index
    %get3A_1018 = vector.load %arg5[%get3A_1016, %get3A_1017] : memref<128x256xf32, #tpu.memory_space<vmem>>, vector<128x1xf32>
    %add3A_1019 = arith.addf %add3A_1011, %get3A_1018 : vector<128x1xf32>
    %add3A_1020 = arith.addf %add3A_1019, %add3A_913 : vector<128x1xf32>
    %swap3A_1021 = arith.constant 0 : index
    %swap3A_1022 = arith.constant 141 : index
    %swap3A_1023 = vector.load %arg4[%swap3A_1021, %swap3A_1022] : memref<128x256xf32, #tpu.memory_space<vmem>>, vector<128x1xf32>
    tpu.vector_store %arg4[%swap3A_1021, %swap3A_1022], %add3A_1020 {strides = array<i32>} : memref<128x256xf32, #tpu.memory_space<vmem>>, vector<128x1xf32>,
    %get3A_1024 = arith.constant 0 : index
    %get3A_1025 = arith.constant 141 : index
    %get3A_1026 = vector.load %arg5[%get3A_1024, %get3A_1025] : memref<128x256xf32, #tpu.memory_space<vmem>>, vector<128x1xf32>
    %add3A_1027 = arith.addf %add3A_1019, %get3A_1026 : vector<128x1xf32>
    %add3A_1028 = arith.addf %add3A_1027, %add3A_913 : vector<128x1xf32>
    %swap3A_1029 = arith.constant 0 : index
    %swap3A_1030 = arith.constant 142 : index
    %swap3A_1031 = vector.load %arg4[%swap3A_1029, %swap3A_1030] : memref<128x256xf32, #tpu.memory_space<vmem>>, vector<128x1xf32>
    tpu.vector_store %arg4[%swap3A_1029, %swap3A_1030], %add3A_1028 {strides = array<i32>} : memref<128x256xf32, #tpu.memory_space<vmem>>, vector<128x1xf32>,
    %get3A_1032 = arith.constant 0 : index
    %get3A_1033 = arith.constant 142 : index
    %get3A_1034 = vector.load %arg5[%get3A_1032, %get3A_1033] : memref<128x256xf32, #tpu.memory_space<vmem>>, vector<128x1xf32>
    %add3A_1035 = arith.addf %add3A_1027, %get3A_1034 : vector<128x1xf32>
    %add3A_1036 = arith.addf %add3A_1035, %add3A_913 : vector<128x1xf32>
    %swap3A_1037 = arith.constant 0 : index
    %swap3A_1038 = arith.constant 143 : index
    %swap3A_1039 = vector.load %arg4[%swap3A_1037, %swap3A_1038] : memref<128x256xf32, #tpu.memory_space<vmem>>, vector<128x1xf32>
    tpu.vector_store %arg4[%swap3A_1037, %swap3A_1038], %add3A_1036 {strides = array<i32>} : memref<128x256xf32, #tpu.memory_space<vmem>>, vector<128x1xf32>,
    %get3A_1040 = arith.constant 0 : index
    %get3A_1041 = arith.constant 143 : index
    %get3A_1042 = vector.load %arg5[%get3A_1040, %get3A_1041] : memref<128x256xf32, #tpu.memory_space<vmem>>, vector<128x1xf32>
    %add3A_1043 = arith.addf %add3A_1035, %get3A_1042 : vector<128x1xf32>
    %add3A_1044 = arith.addf %add3A_1043, %add3A_913 : vector<128x1xf32>
    %swap3A_1045 = arith.constant 0 : index
    %swap3A_1046 = arith.constant 144 : index
    %swap3A_1047 = vector.load %arg4[%swap3A_1045, %swap3A_1046] : memref<128x256xf32, #tpu.memory_space<vmem>>, vector<128x1xf32>
    tpu.vector_store %arg4[%swap3A_1045, %swap3A_1046], %add3A_1044 {strides = array<i32>} : memref<128x256xf32, #tpu.memory_space<vmem>>, vector<128x1xf32>,
    %get3A_1048 = arith.constant 0 : index
    %get3A_1049 = arith.constant 144 : index
    %get3A_1050 = vector.load %arg5[%get3A_1048, %get3A_1049] : memref<128x256xf32, #tpu.memory_space<vmem>>, vector<128x1xf32>
    %add3A_1051 = arith.addf %add3A_1043, %get3A_1050 : vector<128x1xf32>
    %add3A_1052 = arith.addf %add3A_1051, %add3A_913 : vector<128x1xf32>
    %swap3A_1053 = arith.constant 0 : index
    %swap3A_1054 = arith.constant 145 : index
    %swap3A_1055 = vector.load %arg4[%swap3A_1053, %swap3A_1054] : memref<128x256xf32, #tpu.memory_space<vmem>>, vector<128x1xf32>
    tpu.vector_store %arg4[%swap3A_1053, %swap3A_1054], %add3A_1052 {strides = array<i32>} : memref<128x256xf32, #tpu.memory_space<vmem>>, vector<128x1xf32>,
    %get3A_1056 = arith.constant 0 : index
    %get3A_1057 = arith.constant 145 : index
    %get3A_1058 = vector.load %arg5[%get3A_1056, %get3A_1057] : memref<128x256xf32, #tpu.memory_space<vmem>>, vector<128x1xf32>
    %add3A_1059 = arith.addf %add3A_1051, %get3A_1058 : vector<128x1xf32>
    %add3A_1060 = arith.addf %add3A_1059, %add3A_913 : vector<128x1xf32>
    %swap3A_1061 = arith.constant 0 : index
    %swap3A_1062 = arith.constant 146 : index
    %swap3A_1063 = vector.load %arg4[%swap3A_1061, %swap3A_1062] : memref<128x256xf32, #tpu.memory_space<vmem>>, vector<128x1xf32>
    tpu.vector_store %arg4[%swap3A_1061, %swap3A_1062], %add3A_1060 {strides = array<i32>} : memref<128x256xf32, #tpu.memory_space<vmem>>, vector<128x1xf32>,
    %get3A_1064 = arith.constant 0 : index
    %get3A_1065 = arith.constant 146 : index
    %get3A_1066 = vector.load %arg5[%get3A_1064, %get3A_1065] : memref<128x256xf32, #tpu.memory_space<vmem>>, vector<128x1xf32>
    %add3A_1067 = arith.addf %add3A_1059, %get3A_1066 : vector<128x1xf32>
    %add3A_1068 = arith.addf %add3A_1067, %add3A_913 : vector<128x1xf32>
    %swap3A_1069 = arith.constant 0 : index
    %swap3A_1070 = arith.constant 147 : index
    %swap3A_1071 = vector.load %arg4[%swap3A_1069, %swap3A_1070] : memref<128x256xf32, #tpu.memory_space<vmem>>, vector<128x1xf32>
    tpu.vector_store %arg4[%swap3A_1069, %swap3A_1070], %add3A_1068 {strides = array<i32>} : memref<128x256xf32, #tpu.memory_space<vmem>>, vector<128x1xf32>,
    %get3A_1072 = arith.constant 0 : index
    %get3A_1073 = arith.constant 147 : index
    %get3A_1074 = vector.load %arg5[%get3A_1072, %get3A_1073] : memref<128x256xf32, #tpu.memory_space<vmem>>, vector<128x1xf32>
    %add3A_1075 = arith.addf %add3A_1067, %get3A_1074 : vector<128x1xf32>
    %add3A_1076 = arith.addf %add3A_1075, %add3A_913 : vector<128x1xf32>
    %swap3A_1077 = arith.constant 0 : index
    %swap3A_1078 = arith.constant 148 : index
    %swap3A_1079 = vector.load %arg4[%swap3A_1077, %swap3A_1078] : memref<128x256xf32, #tpu.memory_space<vmem>>, vector<128x1xf32>
    tpu.vector_store %arg4[%swap3A_1077, %swap3A_1078], %add3A_1076 {strides = array<i32>} : memref<128x256xf32, #tpu.memory_space<vmem>>, vector<128x1xf32>,
    %get3A_1080 = arith.constant 0 : index
    %get3A_1081 = arith.constant 148 : index
    %get3A_1082 = vector.load %arg5[%get3A_1080, %get3A_1081] : memref<128x256xf32, #tpu.memory_space<vmem>>, vector<128x1xf32>
    %add3A_1083 = arith.addf %add3A_1075, %get3A_1082 : vector<128x1xf32>
    %add3A_1084 = arith.addf %add3A_1083, %add3A_913 : vector<128x1xf32>
    %swap3A_1085 = arith.constant 0 : index
    %swap3A_1086 = arith.constant 149 : index
    %swap3A_1087 = vector.load %arg4[%swap3A_1085, %swap3A_1086] : memref<128x256xf32, #tpu.memory_space<vmem>>, vector<128x1xf32>
    tpu.vector_store %arg4[%swap3A_1085, %swap3A_1086], %add3A_1084 {strides = array<i32>} : memref<128x256xf32, #tpu.memory_space<vmem>>, vector<128x1xf32>,
    %get3A_1088 = arith.constant 0 : index
    %get3A_1089 = arith.constant 149 : index
    %get3A_1090 = vector.load %arg5[%get3A_1088, %get3A_1089] : memref<128x256xf32, #tpu.memory_space<vmem>>, vector<128x1xf32>
    %add3A_1091 = arith.addf %add3A_1083, %get3A_1090 : vector<128x1xf32>
    %add3A_1092 = arith.addf %add3A_1091, %add3A_913 : vector<128x1xf32>
    %swap3A_1093 = arith.constant 0 : index
    %swap3A_1094 = arith.constant 150 : index
    %swap3A_1095 = vector.load %arg4[%swap3A_1093, %swap3A_1094] : memref<128x256xf32, #tpu.memory_space<vmem>>, vector<128x1xf32>
    tpu.vector_store %arg4[%swap3A_1093, %swap3A_1094], %add3A_1092 {strides = array<i32>} : memref<128x256xf32, #tpu.memory_space<vmem>>, vector<128x1xf32>,
    %get3A_1096 = arith.constant 0 : index
    %get3A_1097 = arith.constant 150 : index
    %get3A_1098 = vector.load %arg5[%get3A_1096, %get3A_1097] : memref<128x256xf32, #tpu.memory_space<vmem>>, vector<128x1xf32>
    %add3A_1099 = arith.addf %add3A_1091, %get3A_1098 : vector<128x1xf32>
    %add3A_1100 = arith.addf %add3A_1099, %add3A_913 : vector<128x1xf32>
    %swap3A_1101 = arith.constant 0 : index
    %swap3A_1102 = arith.constant 151 : index
    %swap3A_1103 = vector.load %arg4[%swap3A_1101, %swap3A_1102] : memref<128x256xf32, #tpu.memory_space<vmem>>, vector<128x1xf32>
    tpu.vector_store %arg4[%swap3A_1101, %swap3A_1102], %add3A_1100 {strides = array<i32>} : memref<128x256xf32, #tpu.memory_space<vmem>>, vector<128x1xf32>,
    %get3A_1104 = arith.constant 0 : index
    %get3A_1105 = arith.constant 151 : index
    %get3A_1106 = vector.load %arg5[%get3A_1104, %get3A_1105] : memref<128x256xf32, #tpu.memory_space<vmem>>, vector<128x1xf32>
    %add3A_1107 = arith.addf %add3A_1099, %get3A_1106 : vector<128x1xf32>
    %add3A_1108 = arith.addf %add3A_1107, %add3A_913 : vector<128x1xf32>
    %swap3A_1109 = arith.constant 0 : index
    %swap3A_1110 = arith.constant 152 : index
    %swap3A_1111 = vector.load %arg4[%swap3A_1109, %swap3A_1110] : memref<128x256xf32, #tpu.memory_space<vmem>>, vector<128x1xf32>
    tpu.vector_store %arg4[%swap3A_1109, %swap3A_1110], %add3A_1108 {strides = array<i32>} : memref<128x256xf32, #tpu.memory_space<vmem>>, vector<128x1xf32>,
    %get3A_1112 = arith.constant 0 : index
    %get3A_1113 = arith.constant 152 : index
    %get3A_1114 = vector.load %arg5[%get3A_1112, %get3A_1113] : memref<128x256xf32, #tpu.memory_space<vmem>>, vector<128x1xf32>
    %add3A_1115 = arith.addf %add3A_1107, %get3A_1114 : vector<128x1xf32>
    %add3A_1116 = arith.addf %add3A_1115, %add3A_913 : vector<128x1xf32>
    %swap3A_1117 = arith.constant 0 : index
    %swap3A_1118 = arith.constant 153 : index
    %swap3A_1119 = vector.load %arg4[%swap3A_1117, %swap3A_1118] : memref<128x256xf32, #tpu.memory_space<vmem>>, vector<128x1xf32>
    tpu.vector_store %arg4[%swap3A_1117, %swap3A_1118], %add3A_1116 {strides = array<i32>} : memref<128x256xf32, #tpu.memory_space<vmem>>, vector<128x1xf32>,
    %get3A_1120 = arith.constant 0 : index
    %get3A_1121 = arith.constant 153 : index
    %get3A_1122 = vector.load %arg5[%get3A_1120, %get3A_1121] : memref<128x256xf32, #tpu.memory_space<vmem>>, vector<128x1xf32>
    %add3A_1123 = arith.addf %add3A_1115, %get3A_1122 : vector<128x1xf32>
    %add3A_1124 = arith.addf %add3A_1123, %add3A_913 : vector<128x1xf32>
    %swap3A_1125 = arith.constant 0 : index
    %swap3A_1126 = arith.constant 154 : index
    %swap3A_1127 = vector.load %arg4[%swap3A_1125, %swap3A_1126] : memref<128x256xf32, #tpu.memory_space<vmem>>, vector<128x1xf32>
    tpu.vector_store %arg4[%swap3A_1125, %swap3A_1126], %add3A_1124 {strides = array<i32>} : memref<128x256xf32, #tpu.memory_space<vmem>>, vector<128x1xf32>,
    %get3A_1128 = arith.constant 0 : index
    %get3A_1129 = arith.constant 154 : index
    %get3A_1130 = vector.load %arg5[%get3A_1128, %get3A_1129] : memref<128x256xf32, #tpu.memory_space<vmem>>, vector<128x1xf32>
    %add3A_1131 = arith.addf %add3A_1123, %get3A_1130 : vector<128x1xf32>
    %add3A_1132 = arith.addf %add3A_1131, %add3A_913 : vector<128x1xf32>
    %swap3A_1133 = arith.constant 0 : index
    %swap3A_1134 = arith.constant 155 : index
    %swap3A_1135 = vector.load %arg4[%swap3A_1133, %swap3A_1134] : memref<128x256xf32, #tpu.memory_space<vmem>>, vector<128x1xf32>
    tpu.vector_store %arg4[%swap3A_1133, %swap3A_1134], %add3A_1132 {strides = array<i32>} : memref<128x256xf32, #tpu.memory_space<vmem>>, vector<128x1xf32>,
    %get3A_1136 = arith.constant 0 : index
    %get3A_1137 = arith.constant 155 : index
    %get3A_1138 = vector.load %arg5[%get3A_1136, %get3A_1137] : memref<128x256xf32, #tpu.memory_space<vmem>>, vector<128x1xf32>
    %add3A_1139 = arith.addf %add3A_1131, %get3A_1138 : vector<128x1xf32>
    %add3A_1140 = arith.addf %add3A_1139, %add3A_913 : vector<128x1xf32>
    %swap3A_1141 = arith.constant 0 : index
    %swap3A_1142 = arith.constant 156 : index
    %swap3A_1143 = vector.load %arg4[%swap3A_1141, %swap3A_1142] : memref<128x256xf32, #tpu.memory_space<vmem>>, vector<128x1xf32>
    tpu.vector_store %arg4[%swap3A_1141, %swap3A_1142], %add3A_1140 {strides = array<i32>} : memref<128x256xf32, #tpu.memory_space<vmem>>, vector<128x1xf32>,
    %get3A_1144 = arith.constant 0 : index
    %get3A_1145 = arith.constant 156 : index
    %get3A_1146 = vector.load %arg5[%get3A_1144, %get3A_1145] : memref<128x256xf32, #tpu.memory_space<vmem>>, vector<128x1xf32>
    %add3A_1147 = arith.addf %add3A_1139, %get3A_1146 : vector<128x1xf32>
    %add3A_1148 = arith.addf %add3A_1147, %add3A_913 : vector<128x1xf32>
    %swap3A_1149 = arith.constant 0 : index
    %swap3A_1150 = arith.constant 157 : index
    %swap3A_1151 = vector.load %arg4[%swap3A_1149, %swap3A_1150] : memref<128x256xf32, #tpu.memory_space<vmem>>, vector<128x1xf32>
    tpu.vector_store %arg4[%swap3A_1149, %swap3A_1150], %add3A_1148 {strides = array<i32>} : memref<128x256xf32, #tpu.memory_space<vmem>>, vector<128x1xf32>,
    %get3A_1152 = arith.constant 0 : index
    %get3A_1153 = arith.constant 157 : index
    %get3A_1154 = vector.load %arg5[%get3A_1152, %get3A_1153] : memref<128x256xf32, #tpu.memory_space<vmem>>, vector<128x1xf32>
    %add3A_1155 = arith.addf %add3A_1147, %get3A_1154 : vector<128x1xf32>
    %add3A_1156 = arith.addf %add3A_1155, %add3A_913 : vector<128x1xf32>
    %swap3A_1157 = arith.constant 0 : index
    %swap3A_1158 = arith.constant 158 : index
    %swap3A_1159 = vector.load %arg4[%swap3A_1157, %swap3A_1158] : memref<128x256xf32, #tpu.memory_space<vmem>>, vector<128x1xf32>
    tpu.vector_store %arg4[%swap3A_1157, %swap3A_1158], %add3A_1156 {strides = array<i32>} : memref<128x256xf32, #tpu.memory_space<vmem>>, vector<128x1xf32>,
    %get3A_1160 = arith.constant 0 : index
    %get3A_1161 = arith.constant 158 : index
    %get3A_1162 = vector.load %arg5[%get3A_1160, %get3A_1161] : memref<128x256xf32, #tpu.memory_space<vmem>>, vector<128x1xf32>
    %add3A_1163 = arith.addf %add3A_1155, %get3A_1162 : vector<128x1xf32>
    %add3A_1164 = arith.addf %add3A_1163, %add3A_913 : vector<128x1xf32>
    %swap3A_1165 = arith.constant 0 : index
    %swap3A_1166 = arith.constant 159 : index
    %swap3A_1167 = vector.load %arg4[%swap3A_1165, %swap3A_1166] : memref<128x256xf32, #tpu.memory_space<vmem>>, vector<128x1xf32>
    tpu.vector_store %arg4[%swap3A_1165, %swap3A_1166], %add3A_1164 {strides = array<i32>} : memref<128x256xf32, #tpu.memory_space<vmem>>, vector<128x1xf32>,
    %get3A_1168 = arith.constant 0 : index
    %get3A_1169 = arith.constant 159 : index
    %get3A_1170 = vector.load %arg5[%get3A_1168, %get3A_1169] : memref<128x256xf32, #tpu.memory_space<vmem>>, vector<128x1xf32>
    %add3A_1171 = arith.addf %add3A_1163, %get3A_1170 : vector<128x1xf32>
    %add3A_1172 = arith.addf %add3A_1171, %add3A_913 : vector<128x1xf32>
    %swap3A_1173 = arith.constant 0 : index
    %swap3A_1174 = arith.constant 160 : index
    %swap3A_1175 = vector.load %arg4[%swap3A_1173, %swap3A_1174] : memref<128x256xf32, #tpu.memory_space<vmem>>, vector<128x1xf32>
    tpu.vector_store %arg4[%swap3A_1173, %swap3A_1174], %add3A_1172 {strides = array<i32>} : memref<128x256xf32, #tpu.memory_space<vmem>>, vector<128x1xf32>,
    %get3A_1176 = arith.constant 0 : index
    %get3A_1177 = arith.constant 160 : index
    %get3A_1178 = vector.load %arg5[%get3A_1176, %get3A_1177] : memref<128x256xf32, #tpu.memory_space<vmem>>, vector<128x1xf32>
    %add3A_1179 = arith.addf %add3A_1171, %get3A_1178 : vector<128x1xf32>
    %add3A_1180 = arith.addf %add3A_1179, %add3A_913 : vector<128x1xf32>
    %swap3A_1181 = arith.constant 0 : index
    %swap3A_1182 = arith.constant 161 : index
    %swap3A_1183 = vector.load %arg4[%swap3A_1181, %swap3A_1182] : memref<128x256xf32, #tpu.memory_space<vmem>>, vector<128x1xf32>
    tpu.vector_store %arg4[%swap3A_1181, %swap3A_1182], %add3A_1180 {strides = array<i32>} : memref<128x256xf32, #tpu.memory_space<vmem>>, vector<128x1xf32>,
    %get3A_1184 = arith.constant 0 : index
    %get3A_1185 = arith.constant 161 : index
    %get3A_1186 = vector.load %arg5[%get3A_1184, %get3A_1185] : memref<128x256xf32, #tpu.memory_space<vmem>>, vector<128x1xf32>
    %add3A_1187 = arith.addf %add3A_1179, %get3A_1186 : vector<128x1xf32>
    %add3A_1188 = arith.addf %add3A_1187, %add3A_913 : vector<128x1xf32>
    %swap3A_1189 = arith.constant 0 : index
    %swap3A_1190 = arith.constant 162 : index
    %swap3A_1191 = vector.load %arg4[%swap3A_1189, %swap3A_1190] : memref<128x256xf32, #tpu.memory_space<vmem>>, vector<128x1xf32>
    tpu.vector_store %arg4[%swap3A_1189, %swap3A_1190], %add3A_1188 {strides = array<i32>} : memref<128x256xf32, #tpu.memory_space<vmem>>, vector<128x1xf32>,
    %get3A_1192 = arith.constant 0 : index
    %get3A_1193 = arith.constant 162 : index
    %get3A_1194 = vector.load %arg5[%get3A_1192, %get3A_1193] : memref<128x256xf32, #tpu.memory_space<vmem>>, vector<128x1xf32>
    %add3A_1195 = arith.addf %add3A_1187, %get3A_1194 : vector<128x1xf32>
    %add3A_1196 = arith.addf %add3A_1195, %add3A_913 : vector<128x1xf32>
    %swap3A_1197 = arith.constant 0 : index
    %swap3A_1198 = arith.constant 163 : index
    %swap3A_1199 = vector.load %arg4[%swap3A_1197, %swap3A_1198] : memref<128x256xf32, #tpu.memory_space<vmem>>, vector<128x1xf32>
    tpu.vector_store %arg4[%swap3A_1197, %swap3A_1198], %add3A_1196 {strides = array<i32>} : memref<128x256xf32, #tpu.memory_space<vmem>>, vector<128x1xf32>,
    %get3A_1200 = arith.constant 0 : index
    %get3A_1201 = arith.constant 163 : index
    %get3A_1202 = vector.load %arg5[%get3A_1200, %get3A_1201] : memref<128x256xf32, #tpu.memory_space<vmem>>, vector<128x1xf32>
    %add3A_1203 = arith.addf %add3A_1195, %get3A_1202 : vector<128x1xf32>
    %add3A_1204 = arith.addf %add3A_1203, %add3A_913 : vector<128x1xf32>
    %swap3A_1205 = arith.constant 0 : index
    %swap3A_1206 = arith.constant 164 : index
    %swap3A_1207 = vector.load %arg4[%swap3A_1205, %swap3A_1206] : memref<128x256xf32, #tpu.memory_space<vmem>>, vector<128x1xf32>
    tpu.vector_store %arg4[%swap3A_1205, %swap3A_1206], %add3A_1204 {strides = array<i32>} : memref<128x256xf32, #tpu.memory_space<vmem>>, vector<128x1xf32>,
    %get3A_1208 = arith.constant 0 : index
    %get3A_1209 = arith.constant 164 : index
    %get3A_1210 = vector.load %arg5[%get3A_1208, %get3A_1209] : memref<128x256xf32, #tpu.memory_space<vmem>>, vector<128x1xf32>
    %add3A_1211 = arith.addf %add3A_1203, %get3A_1210 : vector<128x1xf32>
    %add3A_1212 = arith.addf %add3A_1211, %add3A_913 : vector<128x1xf32>
    %swap3A_1213 = arith.constant 0 : index
    %swap3A_1214 = arith.constant 165 : index
    %swap3A_1215 = vector.load %arg4[%swap3A_1213, %swap3A_1214] : memref<128x256xf32, #tpu.memory_space<vmem>>, vector<128x1xf32>
    tpu.vector_store %arg4[%swap3A_1213, %swap3A_1214], %add3A_1212 {strides = array<i32>} : memref<128x256xf32, #tpu.memory_space<vmem>>, vector<128x1xf32>,
    %get3A_1216 = arith.constant 0 : index
    %get3A_1217 = arith.constant 165 : index
    %get3A_1218 = vector.load %arg5[%get3A_1216, %get3A_1217] : memref<128x256xf32, #tpu.memory_space<vmem>>, vector<128x1xf32>
    %add3A_1219 = arith.addf %add3A_1211, %get3A_1218 : vector<128x1xf32>
    %add3A_1220 = arith.addf %add3A_1219, %add3A_913 : vector<128x1xf32>
    %swap3A_1221 = arith.constant 0 : index
    %swap3A_1222 = arith.constant 166 : index
    %swap3A_1223 = vector.load %arg4[%swap3A_1221, %swap3A_1222] : memref<128x256xf32, #tpu.memory_space<vmem>>, vector<128x1xf32>
    tpu.vector_store %arg4[%swap3A_1221, %swap3A_1222], %add3A_1220 {strides = array<i32>} : memref<128x256xf32, #tpu.memory_space<vmem>>, vector<128x1xf32>,
    %get3A_1224 = arith.constant 0 : index
    %get3A_1225 = arith.constant 166 : index
    %get3A_1226 = vector.load %arg5[%get3A_1224, %get3A_1225] : memref<128x256xf32, #tpu.memory_space<vmem>>, vector<128x1xf32>
    %add3A_1227 = arith.addf %add3A_1219, %get3A_1226 : vector<128x1xf32>
    %add3A_1228 = arith.addf %add3A_1227, %add3A_913 : vector<128x1xf32>
    %swap3A_1229 = arith.constant 0 : index
    %swap3A_1230 = arith.constant 167 : index
    %swap3A_1231 = vector.load %arg4[%swap3A_1229, %swap3A_1230] : memref<128x256xf32, #tpu.memory_space<vmem>>, vector<128x1xf32>
    tpu.vector_store %arg4[%swap3A_1229, %swap3A_1230], %add3A_1228 {strides = array<i32>} : memref<128x256xf32, #tpu.memory_space<vmem>>, vector<128x1xf32>,
    %get3A_1232 = arith.constant 0 : index
    %get3A_1233 = arith.constant 167 : index
    %get3A_1234 = vector.load %arg5[%get3A_1232, %get3A_1233] : memref<128x256xf32, #tpu.memory_space<vmem>>, vector<128x1xf32>
    %add3A_1235 = arith.addf %add3A_1227, %get3A_1234 : vector<128x1xf32>
    %add3A_1236 = arith.addf %add3A_1235, %add3A_913 : vector<128x1xf32>
    %swap3A_1237 = arith.constant 0 : index
    %swap3A_1238 = arith.constant 168 : index
    %swap3A_1239 = vector.load %arg4[%swap3A_1237, %swap3A_1238] : memref<128x256xf32, #tpu.memory_space<vmem>>, vector<128x1xf32>
    tpu.vector_store %arg4[%swap3A_1237, %swap3A_1238], %add3A_1236 {strides = array<i32>} : memref<128x256xf32, #tpu.memory_space<vmem>>, vector<128x1xf32>,
    %get3A_1240 = arith.constant 0 : index
    %get3A_1241 = arith.constant 168 : index
    %get3A_1242 = vector.load %arg5[%get3A_1240, %get3A_1241] : memref<128x256xf32, #tpu.memory_space<vmem>>, vector<128x1xf32>
    %add3A_1243 = arith.addf %add3A_1235, %get3A_1242 : vector<128x1xf32>
    %add3A_1244 = arith.addf %add3A_1243, %add3A_913 : vector<128x1xf32>
    %swap3A_1245 = arith.constant 0 : index
    %swap3A_1246 = arith.constant 169 : index
    %swap3A_1247 = vector.load %arg4[%swap3A_1245, %swap3A_1246] : memref<128x256xf32, #tpu.memory_space<vmem>>, vector<128x1xf32>
    tpu.vector_store %arg4[%swap3A_1245, %swap3A_1246], %add3A_1244 {strides = array<i32>} : memref<128x256xf32, #tpu.memory_space<vmem>>, vector<128x1xf32>,
    %get3A_1248 = arith.constant 0 : index
    %get3A_1249 = arith.constant 169 : index
    %get3A_1250 = vector.load %arg5[%get3A_1248, %get3A_1249] : memref<128x256xf32, #tpu.memory_space<vmem>>, vector<128x1xf32>
    %add3A_1251 = arith.addf %add3A_1243, %get3A_1250 : vector<128x1xf32>
    %add3A_1252 = arith.addf %add3A_1251, %add3A_913 : vector<128x1xf32>
    %swap3A_1253 = arith.constant 0 : index
    %swap3A_1254 = arith.constant 170 : index
    %swap3A_1255 = vector.load %arg4[%swap3A_1253, %swap3A_1254] : memref<128x256xf32, #tpu.memory_space<vmem>>, vector<128x1xf32>
    tpu.vector_store %arg4[%swap3A_1253, %swap3A_1254], %add3A_1252 {strides = array<i32>} : memref<128x256xf32, #tpu.memory_space<vmem>>, vector<128x1xf32>,
    %get3A_1256 = arith.constant 0 : index
    %get3A_1257 = arith.constant 170 : index
    %get3A_1258 = vector.load %arg5[%get3A_1256, %get3A_1257] : memref<128x256xf32, #tpu.memory_space<vmem>>, vector<128x1xf32>
    %add3A_1259 = arith.addf %add3A_1251, %get3A_1258 : vector<128x1xf32>
    %add3A_1260 = arith.addf %add3A_1259, %add3A_913 : vector<128x1xf32>
    %swap3A_1261 = arith.constant 0 : index
    %swap3A_1262 = arith.constant 171 : index
    %swap3A_1263 = vector.load %arg4[%swap3A_1261, %swap3A_1262] : memref<128x256xf32, #tpu.memory_space<vmem>>, vector<128x1xf32>
    tpu.vector_store %arg4[%swap3A_1261, %swap3A_1262], %add3A_1260 {strides = array<i32>} : memref<128x256xf32, #tpu.memory_space<vmem>>, vector<128x1xf32>,
    %get3A_1264 = arith.constant 0 : index
    %get3A_1265 = arith.constant 171 : index
    %get3A_1266 = vector.load %arg5[%get3A_1264, %get3A_1265] : memref<128x256xf32, #tpu.memory_space<vmem>>, vector<128x1xf32>
    %add3A_1267 = arith.addf %add3A_1259, %get3A_1266 : vector<128x1xf32>
    %add3A_1268 = arith.addf %add3A_1267, %add3A_913 : vector<128x1xf32>
    %swap3A_1269 = arith.constant 0 : index
    %swap3A_1270 = arith.constant 172 : index
    %swap3A_1271 = vector.load %arg4[%swap3A_1269, %swap3A_1270] : memref<128x256xf32, #tpu.memory_space<vmem>>, vector<128x1xf32>
    tpu.vector_store %arg4[%swap3A_1269, %swap3A_1270], %add3A_1268 {strides = array<i32>} : memref<128x256xf32, #tpu.memory_space<vmem>>, vector<128x1xf32>,
    %get3A_1272 = arith.constant 0 : index
    %get3A_1273 = arith.constant 172 : index
    %get3A_1274 = vector.load %arg5[%get3A_1272, %get3A_1273] : memref<128x256xf32, #tpu.memory_space<vmem>>, vector<128x1xf32>
    %add3A_1275 = arith.addf %add3A_1267, %get3A_1274 : vector<128x1xf32>
    %add3A_1276 = arith.addf %add3A_1275, %add3A_913 : vector<128x1xf32>
    %swap3A_1277 = arith.constant 0 : index
    %swap3A_1278 = arith.constant 173 : index
    %swap3A_1279 = vector.load %arg4[%swap3A_1277, %swap3A_1278] : memref<128x256xf32, #tpu.memory_space<vmem>>, vector<128x1xf32>
    tpu.vector_store %arg4[%swap3A_1277, %swap3A_1278], %add3A_1276 {strides = array<i32>} : memref<128x256xf32, #tpu.memory_space<vmem>>, vector<128x1xf32>,
    %get3A_1280 = arith.constant 0 : index
    %get3A_1281 = arith.constant 173 : index
    %get3A_1282 = vector.load %arg5[%get3A_1280, %get3A_1281] : memref<128x256xf32, #tpu.memory_space<vmem>>, vector<128x1xf32>
    %add3A_1283 = arith.addf %add3A_1275, %get3A_1282 : vector<128x1xf32>
    %add3A_1284 = arith.addf %add3A_1283, %add3A_913 : vector<128x1xf32>
    %swap3A_1285 = arith.constant 0 : index
    %swap3A_1286 = arith.constant 174 : index
    %swap3A_1287 = vector.load %arg4[%swap3A_1285, %swap3A_1286] : memref<128x256xf32, #tpu.memory_space<vmem>>, vector<128x1xf32>
    tpu.vector_store %arg4[%swap3A_1285, %swap3A_1286], %add3A_1284 {strides = array<i32>} : memref<128x256xf32, #tpu.memory_space<vmem>>, vector<128x1xf32>,
    %get3A_1288 = arith.constant 0 : index
    %get3A_1289 = arith.constant 174 : index
    %get3A_1290 = vector.load %arg5[%get3A_1288, %get3A_1289] : memref<128x256xf32, #tpu.memory_space<vmem>>, vector<128x1xf32>
    %add3A_1291 = arith.addf %add3A_1283, %get3A_1290 : vector<128x1xf32>
    %add3A_1292 = arith.addf %add3A_1291, %add3A_913 : vector<128x1xf32>
    %swap3A_1293 = arith.constant 0 : index
    %swap3A_1294 = arith.constant 175 : index
    %swap3A_1295 = vector.load %arg4[%swap3A_1293, %swap3A_1294] : memref<128x256xf32, #tpu.memory_space<vmem>>, vector<128x1xf32>
    tpu.vector_store %arg4[%swap3A_1293, %swap3A_1294], %add3A_1292 {strides = array<i32>} : memref<128x256xf32, #tpu.memory_space<vmem>>, vector<128x1xf32>,
    %get3A_1296 = arith.constant 0 : index
    %get3A_1297 = arith.constant 175 : index
    %get3A_1298 = vector.load %arg5[%get3A_1296, %get3A_1297] : memref<128x256xf32, #tpu.memory_space<vmem>>, vector<128x1xf32>
    %add3A_1299 = arith.addf %add3A_1291, %get3A_1298 : vector<128x1xf32>
    %add3A_1300 = arith.addf %add3A_1299, %add3A_913 : vector<128x1xf32>
    %swap3A_1301 = arith.constant 0 : index
    %swap3A_1302 = arith.constant 176 : index
    %swap3A_1303 = vector.load %arg4[%swap3A_1301, %swap3A_1302] : memref<128x256xf32, #tpu.memory_space<vmem>>, vector<128x1xf32>
    tpu.vector_store %arg4[%swap3A_1301, %swap3A_1302], %add3A_1300 {strides = array<i32>} : memref<128x256xf32, #tpu.memory_space<vmem>>, vector<128x1xf32>,
    %get3A_1304 = arith.constant 0 : index
    %get3A_1305 = arith.constant 176 : index
    %get3A_1306 = vector.load %arg5[%get3A_1304, %get3A_1305] : memref<128x256xf32, #tpu.memory_space<vmem>>, vector<128x1xf32>
    %add3A_1307 = arith.addf %add3A_1299, %get3A_1306 : vector<128x1xf32>
    %add3A_1308 = arith.addf %add3A_1307, %add3A_913 : vector<128x1xf32>
    %swap3A_1309 = arith.constant 0 : index
    %swap3A_1310 = arith.constant 177 : index
    %swap3A_1311 = vector.load %arg4[%swap3A_1309, %swap3A_1310] : memref<128x256xf32, #tpu.memory_space<vmem>>, vector<128x1xf32>
    tpu.vector_store %arg4[%swap3A_1309, %swap3A_1310], %add3A_1308 {strides = array<i32>} : memref<128x256xf32, #tpu.memory_space<vmem>>, vector<128x1xf32>,
    %get3A_1312 = arith.constant 0 : index
    %get3A_1313 = arith.constant 177 : index
    %get3A_1314 = vector.load %arg5[%get3A_1312, %get3A_1313] : memref<128x256xf32, #tpu.memory_space<vmem>>, vector<128x1xf32>
    %add3A_1315 = arith.addf %add3A_1307, %get3A_1314 : vector<128x1xf32>
    %add3A_1316 = arith.addf %add3A_1315, %add3A_913 : vector<128x1xf32>
    %swap3A_1317 = arith.constant 0 : index
    %swap3A_1318 = arith.constant 178 : index
    %swap3A_1319 = vector.load %arg4[%swap3A_1317, %swap3A_1318] : memref<128x256xf32, #tpu.memory_space<vmem>>, vector<128x1xf32>
    tpu.vector_store %arg4[%swap3A_1317, %swap3A_1318], %add3A_1316 {strides = array<i32>} : memref<128x256xf32, #tpu.memory_space<vmem>>, vector<128x1xf32>,
    %get3A_1320 = arith.constant 0 : index
    %get3A_1321 = arith.constant 178 : index
    %get3A_1322 = vector.load %arg5[%get3A_1320, %get3A_1321] : memref<128x256xf32, #tpu.memory_space<vmem>>, vector<128x1xf32>
    %add3A_1323 = arith.addf %add3A_1315, %get3A_1322 : vector<128x1xf32>
    %add3A_1324 = arith.addf %add3A_1323, %add3A_913 : vector<128x1xf32>
    %swap3A_1325 = arith.constant 0 : index
    %swap3A_1326 = arith.constant 179 : index
    %swap3A_1327 = vector.load %arg4[%swap3A_1325, %swap3A_1326] : memref<128x256xf32, #tpu.memory_space<vmem>>, vector<128x1xf32>
    tpu.vector_store %arg4[%swap3A_1325, %swap3A_1326], %add3A_1324 {strides = array<i32>} : memref<128x256xf32, #tpu.memory_space<vmem>>, vector<128x1xf32>,
    %get3A_1328 = arith.constant 0 : index
    %get3A_1329 = arith.constant 179 : index
    %get3A_1330 = vector.load %arg5[%get3A_1328, %get3A_1329] : memref<128x256xf32, #tpu.memory_space<vmem>>, vector<128x1xf32>
    %add3A_1331 = arith.addf %add3A_1323, %get3A_1330 : vector<128x1xf32>
    %add3A_1332 = arith.addf %add3A_1331, %add3A_913 : vector<128x1xf32>
    %swap3A_1333 = arith.constant 0 : index
    %swap3A_1334 = arith.constant 180 : index
    %swap3A_1335 = vector.load %arg4[%swap3A_1333, %swap3A_1334] : memref<128x256xf32, #tpu.memory_space<vmem>>, vector<128x1xf32>
    tpu.vector_store %arg4[%swap3A_1333, %swap3A_1334], %add3A_1332 {strides = array<i32>} : memref<128x256xf32, #tpu.memory_space<vmem>>, vector<128x1xf32>,
    %get3A_1336 = arith.constant 0 : index
    %get3A_1337 = arith.constant 180 : index
    %get3A_1338 = vector.load %arg5[%get3A_1336, %get3A_1337] : memref<128x256xf32, #tpu.memory_space<vmem>>, vector<128x1xf32>
    %add3A_1339 = arith.addf %add3A_1331, %get3A_1338 : vector<128x1xf32>
    %add3A_1340 = arith.addf %add3A_1339, %add3A_913 : vector<128x1xf32>
    %swap3A_1341 = arith.constant 0 : index
    %swap3A_1342 = arith.constant 181 : index
    %swap3A_1343 = vector.load %arg4[%swap3A_1341, %swap3A_1342] : memref<128x256xf32, #tpu.memory_space<vmem>>, vector<128x1xf32>
    tpu.vector_store %arg4[%swap3A_1341, %swap3A_1342], %add3A_1340 {strides = array<i32>} : memref<128x256xf32, #tpu.memory_space<vmem>>, vector<128x1xf32>,
    %get3A_1344 = arith.constant 0 : index
    %get3A_1345 = arith.constant 181 : index
    %get3A_1346 = vector.load %arg5[%get3A_1344, %get3A_1345] : memref<128x256xf32, #tpu.memory_space<vmem>>, vector<128x1xf32>
    %add3A_1347 = arith.addf %add3A_1339, %get3A_1346 : vector<128x1xf32>
    %add3A_1348 = arith.addf %add3A_1347, %add3A_913 : vector<128x1xf32>
    %swap3A_1349 = arith.constant 0 : index
    %swap3A_1350 = arith.constant 182 : index
    %swap3A_1351 = vector.load %arg4[%swap3A_1349, %swap3A_1350] : memref<128x256xf32, #tpu.memory_space<vmem>>, vector<128x1xf32>
    tpu.vector_store %arg4[%swap3A_1349, %swap3A_1350], %add3A_1348 {strides = array<i32>} : memref<128x256xf32, #tpu.memory_space<vmem>>, vector<128x1xf32>,
    %get3A_1352 = arith.constant 0 : index
    %get3A_1353 = arith.constant 182 : index
    %get3A_1354 = vector.load %arg5[%get3A_1352, %get3A_1353] : memref<128x256xf32, #tpu.memory_space<vmem>>, vector<128x1xf32>
    %add3A_1355 = arith.addf %add3A_1347, %get3A_1354 : vector<128x1xf32>
    %add3A_1356 = arith.addf %add3A_1355, %add3A_913 : vector<128x1xf32>
    %swap3A_1357 = arith.constant 0 : index
    %swap3A_1358 = arith.constant 183 : index
    %swap3A_1359 = vector.load %arg4[%swap3A_1357, %swap3A_1358] : memref<128x256xf32, #tpu.memory_space<vmem>>, vector<128x1xf32>
    tpu.vector_store %arg4[%swap3A_1357, %swap3A_1358], %add3A_1356 {strides = array<i32>} : memref<128x256xf32, #tpu.memory_space<vmem>>, vector<128x1xf32>,
    %get3A_1360 = arith.constant 0 : index
    %get3A_1361 = arith.constant 183 : index
    %get3A_1362 = vector.load %arg5[%get3A_1360, %get3A_1361] : memref<128x256xf32, #tpu.memory_space<vmem>>, vector<128x1xf32>
    %add3A_1363 = arith.addf %add3A_1355, %get3A_1362 : vector<128x1xf32>
    %add3A_1364 = arith.addf %add3A_1363, %add3A_913 : vector<128x1xf32>
    %swap3A_1365 = arith.constant 0 : index
    %swap3A_1366 = arith.constant 184 : index
    %swap3A_1367 = vector.load %arg4[%swap3A_1365, %swap3A_1366] : memref<128x256xf32, #tpu.memory_space<vmem>>, vector<128x1xf32>
    tpu.vector_store %arg4[%swap3A_1365, %swap3A_1366], %add3A_1364 {strides = array<i32>} : memref<128x256xf32, #tpu.memory_space<vmem>>, vector<128x1xf32>,
    %get3A_1368 = arith.constant 0 : index
    %get3A_1369 = arith.constant 184 : index
    %get3A_1370 = vector.load %arg5[%get3A_1368, %get3A_1369] : memref<128x256xf32, #tpu.memory_space<vmem>>, vector<128x1xf32>
    %add3A_1371 = arith.addf %add3A_1363, %get3A_1370 : vector<128x1xf32>
    %add3A_1372 = arith.addf %add3A_1371, %add3A_913 : vector<128x1xf32>
    %swap3A_1373 = arith.constant 0 : index
    %swap3A_1374 = arith.constant 185 : index
    %swap3A_1375 = vector.load %arg4[%swap3A_1373, %swap3A_1374] : memref<128x256xf32, #tpu.memory_space<vmem>>, vector<128x1xf32>
    tpu.vector_store %arg4[%swap3A_1373, %swap3A_1374], %add3A_1372 {strides = array<i32>} : memref<128x256xf32, #tpu.memory_space<vmem>>, vector<128x1xf32>,
    %get3A_1376 = arith.constant 0 : index
    %get3A_1377 = arith.constant 185 : index
    %get3A_1378 = vector.load %arg5[%get3A_1376, %get3A_1377] : memref<128x256xf32, #tpu.memory_space<vmem>>, vector<128x1xf32>
    %add3A_1379 = arith.addf %add3A_1371, %get3A_1378 : vector<128x1xf32>
    %add3A_1380 = arith.addf %add3A_1379, %add3A_913 : vector<128x1xf32>
    %swap3A_1381 = arith.constant 0 : index
    %swap3A_1382 = arith.constant 186 : index
    %swap3A_1383 = vector.load %arg4[%swap3A_1381, %swap3A_1382] : memref<128x256xf32, #tpu.memory_space<vmem>>, vector<128x1xf32>
    tpu.vector_store %arg4[%swap3A_1381, %swap3A_1382], %add3A_1380 {strides = array<i32>} : memref<128x256xf32, #tpu.memory_space<vmem>>, vector<128x1xf32>,
    %get3A_1384 = arith.constant 0 : index
    %get3A_1385 = arith.constant 186 : index
    %get3A_1386 = vector.load %arg5[%get3A_1384, %get3A_1385] : memref<128x256xf32, #tpu.memory_space<vmem>>, vector<128x1xf32>
    %add3A_1387 = arith.addf %add3A_1379, %get3A_1386 : vector<128x1xf32>
    %add3A_1388 = arith.addf %add3A_1387, %add3A_913 : vector<128x1xf32>
    %swap3A_1389 = arith.constant 0 : index
    %swap3A_1390 = arith.constant 187 : index
    %swap3A_1391 = vector.load %arg4[%swap3A_1389, %swap3A_1390] : memref<128x256xf32, #tpu.memory_space<vmem>>, vector<128x1xf32>
    tpu.vector_store %arg4[%swap3A_1389, %swap3A_1390], %add3A_1388 {strides = array<i32>} : memref<128x256xf32, #tpu.memory_space<vmem>>, vector<128x1xf32>,
    %get3A_1392 = arith.constant 0 : index
    %get3A_1393 = arith.constant 187 : index
    %get3A_1394 = vector.load %arg5[%get3A_1392, %get3A_1393] : memref<128x256xf32, #tpu.memory_space<vmem>>, vector<128x1xf32>
    %add3A_1395 = arith.addf %add3A_1387, %get3A_1394 : vector<128x1xf32>
    %add3A_1396 = arith.addf %add3A_1395, %add3A_913 : vector<128x1xf32>
    %swap3A_1397 = arith.constant 0 : index
    %swap3A_1398 = arith.constant 188 : index
    %swap3A_1399 = vector.load %arg4[%swap3A_1397, %swap3A_1398] : memref<128x256xf32, #tpu.memory_space<vmem>>, vector<128x1xf32>
    tpu.vector_store %arg4[%swap3A_1397, %swap3A_1398], %add3A_1396 {strides = array<i32>} : memref<128x256xf32, #tpu.memory_space<vmem>>, vector<128x1xf32>,
    %get3A_1400 = arith.constant 0 : index
    %get3A_1401 = arith.constant 188 : index
    %get3A_1402 = vector.load %arg5[%get3A_1400, %get3A_1401] : memref<128x256xf32, #tpu.memory_space<vmem>>, vector<128x1xf32>
    %add3A_1403 = arith.addf %add3A_1395, %get3A_1402 : vector<128x1xf32>
    %add3A_1404 = arith.addf %add3A_1403, %add3A_913 : vector<128x1xf32>
    %swap3A_1405 = arith.constant 0 : index
    %swap3A_1406 = arith.constant 189 : index
    %swap3A_1407 = vector.load %arg4[%swap3A_1405, %swap3A_1406] : memref<128x256xf32, #tpu.memory_space<vmem>>, vector<128x1xf32>
    tpu.vector_store %arg4[%swap3A_1405, %swap3A_1406], %add3A_1404 {strides = array<i32>} : memref<128x256xf32, #tpu.memory_space<vmem>>, vector<128x1xf32>,
    %get3A_1408 = arith.constant 0 : index
    %get3A_1409 = arith.constant 189 : index
    %get3A_1410 = vector.load %arg5[%get3A_1408, %get3A_1409] : memref<128x256xf32, #tpu.memory_space<vmem>>, vector<128x1xf32>
    %add3A_1411 = arith.addf %add3A_1403, %get3A_1410 : vector<128x1xf32>
    %add3A_1412 = arith.addf %add3A_1411, %add3A_913 : vector<128x1xf32>
    %swap3A_1413 = arith.constant 0 : index
    %swap3A_1414 = arith.constant 190 : index
    %swap3A_1415 = vector.load %arg4[%swap3A_1413, %swap3A_1414] : memref<128x256xf32, #tpu.memory_space<vmem>>, vector<128x1xf32>
    tpu.vector_store %arg4[%swap3A_1413, %swap3A_1414], %add3A_1412 {strides = array<i32>} : memref<128x256xf32, #tpu.memory_space<vmem>>, vector<128x1xf32>,
    %get3A_1416 = arith.constant 0 : index
    %get3A_1417 = arith.constant 190 : index
    %get3A_1418 = vector.load %arg5[%get3A_1416, %get3A_1417] : memref<128x256xf32, #tpu.memory_space<vmem>>, vector<128x1xf32>
    %add3A_1419 = arith.addf %add3A_1411, %get3A_1418 : vector<128x1xf32>
    %add3A_1420 = arith.addf %add3A_1419, %add3A_913 : vector<128x1xf32>
    %swap3A_1421 = arith.constant 0 : index
    %swap3A_1422 = arith.constant 191 : index
    %swap3A_1423 = vector.load %arg4[%swap3A_1421, %swap3A_1422] : memref<128x256xf32, #tpu.memory_space<vmem>>, vector<128x1xf32>
    tpu.vector_store %arg4[%swap3A_1421, %swap3A_1422], %add3A_1420 {strides = array<i32>} : memref<128x256xf32, #tpu.memory_space<vmem>>, vector<128x1xf32>,
    %get3A_1424 = arith.constant 0 : index
    %get3A_1425 = arith.constant 191 : index
    %get3A_1426 = vector.load %arg5[%get3A_1424, %get3A_1425] : memref<128x256xf32, #tpu.memory_space<vmem>>, vector<128x1xf32>
    %add3A_1427 = arith.addf %add3A_1419, %get3A_1426 : vector<128x1xf32>
    %add3A_1428 = arith.addf %add3A_1427, %add3A_913 : vector<128x1xf32>
    %swap3A_1429 = arith.constant 0 : index
    %swap3A_1430 = arith.constant 192 : index
    %swap3A_1431 = vector.load %arg4[%swap3A_1429, %swap3A_1430] : memref<128x256xf32, #tpu.memory_space<vmem>>, vector<128x1xf32>
    tpu.vector_store %arg4[%swap3A_1429, %swap3A_1430], %add3A_1428 {strides = array<i32>} : memref<128x256xf32, #tpu.memory_space<vmem>>, vector<128x1xf32>,
    %get3A_1432 = arith.constant 0 : index
    %get3A_1433 = arith.constant 192 : index
    %get3A_1434 = vector.load %arg5[%get3A_1432, %get3A_1433] : memref<128x256xf32, #tpu.memory_space<vmem>>, vector<128x1xf32>
    %add3A_1435 = arith.addf %add3A_1427, %get3A_1434 : vector<128x1xf32>
    %add3A_1436 = arith.addf %add3A_1435, %add3A_913 : vector<128x1xf32>
    %swap3A_1437 = arith.constant 0 : index
    %swap3A_1438 = arith.constant 193 : index
    %swap3A_1439 = vector.load %arg4[%swap3A_1437, %swap3A_1438] : memref<128x256xf32, #tpu.memory_space<vmem>>, vector<128x1xf32>
    tpu.vector_store %arg4[%swap3A_1437, %swap3A_1438], %add3A_1436 {strides = array<i32>} : memref<128x256xf32, #tpu.memory_space<vmem>>, vector<128x1xf32>,
    %get3A_1440 = arith.constant 0 : index
    %get3A_1441 = arith.constant 193 : index
    %get3A_1442 = vector.load %arg5[%get3A_1440, %get3A_1441] : memref<128x256xf32, #tpu.memory_space<vmem>>, vector<128x1xf32>
    %add3A_1443 = arith.addf %add3A_1435, %get3A_1442 : vector<128x1xf32>
    %add3A_1444 = arith.addf %add3A_1443, %add3A_913 : vector<128x1xf32>
    %swap3A_1445 = arith.constant 0 : index
    %swap3A_1446 = arith.constant 194 : index
    %swap3A_1447 = vector.load %arg4[%swap3A_1445, %swap3A_1446] : memref<128x256xf32, #tpu.memory_space<vmem>>, vector<128x1xf32>
    tpu.vector_store %arg4[%swap3A_1445, %swap3A_1446], %add3A_1444 {strides = array<i32>} : memref<128x256xf32, #tpu.memory_space<vmem>>, vector<128x1xf32>,
    %get3A_1448 = arith.constant 0 : index
    %get3A_1449 = arith.constant 194 : index
    %get3A_1450 = vector.load %arg5[%get3A_1448, %get3A_1449] : memref<128x256xf32, #tpu.memory_space<vmem>>, vector<128x1xf32>
    %add3A_1451 = arith.addf %add3A_1443, %get3A_1450 : vector<128x1xf32>
    %add3A_1452 = arith.addf %add3A_1451, %add3A_913 : vector<128x1xf32>
    %swap3A_1453 = arith.constant 0 : index
    %swap3A_1454 = arith.constant 195 : index
    %swap3A_1455 = vector.load %arg4[%swap3A_1453, %swap3A_1454] : memref<128x256xf32, #tpu.memory_space<vmem>>, vector<128x1xf32>
    tpu.vector_store %arg4[%swap3A_1453, %swap3A_1454], %add3A_1452 {strides = array<i32>} : memref<128x256xf32, #tpu.memory_space<vmem>>, vector<128x1xf32>,
    %get3A_1456 = arith.constant 0 : index
    %get3A_1457 = arith.constant 195 : index
    %get3A_1458 = vector.load %arg5[%get3A_1456, %get3A_1457] : memref<128x256xf32, #tpu.memory_space<vmem>>, vector<128x1xf32>
    %add3A_1459 = arith.addf %add3A_1451, %get3A_1458 : vector<128x1xf32>
    %add3A_1460 = arith.addf %add3A_1459, %add3A_913 : vector<128x1xf32>
    %swap3A_1461 = arith.constant 0 : index
    %swap3A_1462 = arith.constant 196 : index
    %swap3A_1463 = vector.load %arg4[%swap3A_1461, %swap3A_1462] : memref<128x256xf32, #tpu.memory_space<vmem>>, vector<128x1xf32>
    tpu.vector_store %arg4[%swap3A_1461, %swap3A_1462], %add3A_1460 {strides = array<i32>} : memref<128x256xf32, #tpu.memory_space<vmem>>, vector<128x1xf32>,
    %get3A_1464 = arith.constant 0 : index
    %get3A_1465 = arith.constant 196 : index
    %get3A_1466 = vector.load %arg5[%get3A_1464, %get3A_1465] : memref<128x256xf32, #tpu.memory_space<vmem>>, vector<128x1xf32>
    %add3A_1467 = arith.addf %add3A_1459, %get3A_1466 : vector<128x1xf32>
    %add3A_1468 = arith.addf %add3A_1467, %add3A_913 : vector<128x1xf32>
    %swap3A_1469 = arith.constant 0 : index
    %swap3A_1470 = arith.constant 197 : index
    %swap3A_1471 = vector.load %arg4[%swap3A_1469, %swap3A_1470] : memref<128x256xf32, #tpu.memory_space<vmem>>, vector<128x1xf32>
    tpu.vector_store %arg4[%swap3A_1469, %swap3A_1470], %add3A_1468 {strides = array<i32>} : memref<128x256xf32, #tpu.memory_space<vmem>>, vector<128x1xf32>,
    %get3A_1472 = arith.constant 0 : index
    %get3A_1473 = arith.constant 197 : index
    %get3A_1474 = vector.load %arg5[%get3A_1472, %get3A_1473] : memref<128x256xf32, #tpu.memory_space<vmem>>, vector<128x1xf32>
    %add3A_1475 = arith.addf %add3A_1467, %get3A_1474 : vector<128x1xf32>
    %add3A_1476 = arith.addf %add3A_1475, %add3A_913 : vector<128x1xf32>
    %swap3A_1477 = arith.constant 0 : index
    %swap3A_1478 = arith.constant 198 : index
    %swap3A_1479 = vector.load %arg4[%swap3A_1477, %swap3A_1478] : memref<128x256xf32, #tpu.memory_space<vmem>>, vector<128x1xf32>
    tpu.vector_store %arg4[%swap3A_1477, %swap3A_1478], %add3A_1476 {strides = array<i32>} : memref<128x256xf32, #tpu.memory_space<vmem>>, vector<128x1xf32>,
    %get3A_1480 = arith.constant 0 : index
    %get3A_1481 = arith.constant 198 : index
    %get3A_1482 = vector.load %arg5[%get3A_1480, %get3A_1481] : memref<128x256xf32, #tpu.memory_space<vmem>>, vector<128x1xf32>
    %add3A_1483 = arith.addf %add3A_1475, %get3A_1482 : vector<128x1xf32>
    %add3A_1484 = arith.addf %add3A_1483, %add3A_913 : vector<128x1xf32>
    %swap3A_1485 = arith.constant 0 : index
    %swap3A_1486 = arith.constant 199 : index
    %swap3A_1487 = vector.load %arg4[%swap3A_1485, %swap3A_1486] : memref<128x256xf32, #tpu.memory_space<vmem>>, vector<128x1xf32>
    tpu.vector_store %arg4[%swap3A_1485, %swap3A_1486], %add3A_1484 {strides = array<i32>} : memref<128x256xf32, #tpu.memory_space<vmem>>, vector<128x1xf32>,
    %get3A_1488 = arith.constant 0 : index
    %get3A_1489 = arith.constant 199 : index
    %get3A_1490 = vector.load %arg5[%get3A_1488, %get3A_1489] : memref<128x256xf32, #tpu.memory_space<vmem>>, vector<128x1xf32>
    %add3A_1491 = arith.addf %add3A_1483, %get3A_1490 : vector<128x1xf32>
    %add3A_1492 = arith.addf %add3A_1491, %add3A_913 : vector<128x1xf32>
    %swap3A_1493 = arith.constant 0 : index
    %swap3A_1494 = arith.constant 200 : index
    %swap3A_1495 = vector.load %arg4[%swap3A_1493, %swap3A_1494] : memref<128x256xf32, #tpu.memory_space<vmem>>, vector<128x1xf32>
    tpu.vector_store %arg4[%swap3A_1493, %swap3A_1494], %add3A_1492 {strides = array<i32>} : memref<128x256xf32, #tpu.memory_space<vmem>>, vector<128x1xf32>,
    %get3A_1496 = arith.constant 0 : index
    %get3A_1497 = arith.constant 200 : index
    %get3A_1498 = vector.load %arg5[%get3A_1496, %get3A_1497] : memref<128x256xf32, #tpu.memory_space<vmem>>, vector<128x1xf32>
    %add3A_1499 = arith.addf %add3A_1491, %get3A_1498 : vector<128x1xf32>
    %add3A_1500 = arith.addf %add3A_1499, %add3A_913 : vector<128x1xf32>
    %swap3A_1501 = arith.constant 0 : index
    %swap3A_1502 = arith.constant 201 : index
    %swap3A_1503 = vector.load %arg4[%swap3A_1501, %swap3A_1502] : memref<128x256xf32, #tpu.memory_space<vmem>>, vector<128x1xf32>
    tpu.vector_store %arg4[%swap3A_1501, %swap3A_1502], %add3A_1500 {strides = array<i32>} : memref<128x256xf32, #tpu.memory_space<vmem>>, vector<128x1xf32>,
    %get3A_1504 = arith.constant 0 : index
    %get3A_1505 = arith.constant 201 : index
    %get3A_1506 = vector.load %arg5[%get3A_1504, %get3A_1505] : memref<128x256xf32, #tpu.memory_space<vmem>>, vector<128x1xf32>
    %add3A_1507 = arith.addf %add3A_1499, %get3A_1506 : vector<128x1xf32>
    %add3A_1508 = arith.addf %add3A_1507, %add3A_913 : vector<128x1xf32>
    %swap3A_1509 = arith.constant 0 : index
    %swap3A_1510 = arith.constant 202 : index
    %swap3A_1511 = vector.load %arg4[%swap3A_1509, %swap3A_1510] : memref<128x256xf32, #tpu.memory_space<vmem>>, vector<128x1xf32>
    tpu.vector_store %arg4[%swap3A_1509, %swap3A_1510], %add3A_1508 {strides = array<i32>} : memref<128x256xf32, #tpu.memory_space<vmem>>, vector<128x1xf32>,
    %get3A_1512 = arith.constant 0 : index
    %get3A_1513 = arith.constant 202 : index
    %get3A_1514 = vector.load %arg5[%get3A_1512, %get3A_1513] : memref<128x256xf32, #tpu.memory_space<vmem>>, vector<128x1xf32>
    %add3A_1515 = arith.addf %add3A_1507, %get3A_1514 : vector<128x1xf32>
    %add3A_1516 = arith.addf %add3A_1515, %add3A_913 : vector<128x1xf32>
    %swap3A_1517 = arith.constant 0 : index
    %swap3A_1518 = arith.constant 203 : index
    %swap3A_1519 = vector.load %arg4[%swap3A_1517, %swap3A_1518] : memref<128x256xf32, #tpu.memory_space<vmem>>, vector<128x1xf32>
    tpu.vector_store %arg4[%swap3A_1517, %swap3A_1518], %add3A_1516 {strides = array<i32>} : memref<128x256xf32, #tpu.memory_space<vmem>>, vector<128x1xf32>,
    %get3A_1520 = arith.constant 0 : index
    %get3A_1521 = arith.constant 203 : index
    %get3A_1522 = vector.load %arg5[%get3A_1520, %get3A_1521] : memref<128x256xf32, #tpu.memory_space<vmem>>, vector<128x1xf32>
    %add3A_1523 = arith.addf %add3A_1515, %get3A_1522 : vector<128x1xf32>
    %add3A_1524 = arith.addf %add3A_1523, %add3A_913 : vector<128x1xf32>
    %swap3A_1525 = arith.constant 0 : index
    %swap3A_1526 = arith.constant 204 : index
    %swap3A_1527 = vector.load %arg4[%swap3A_1525, %swap3A_1526] : memref<128x256xf32, #tpu.memory_space<vmem>>, vector<128x1xf32>
    tpu.vector_store %arg4[%swap3A_1525, %swap3A_1526], %add3A_1524 {strides = array<i32>} : memref<128x256xf32, #tpu.memory_space<vmem>>, vector<128x1xf32>,
    %get3A_1528 = arith.constant 0 : index
    %get3A_1529 = arith.constant 204 : index
    %get3A_1530 = vector.load %arg5[%get3A_1528, %get3A_1529] : memref<128x256xf32, #tpu.memory_space<vmem>>, vector<128x1xf32>
    %add3A_1531 = arith.addf %add3A_1523, %get3A_1530 : vector<128x1xf32>
    %add3A_1532 = arith.addf %add3A_1531, %add3A_913 : vector<128x1xf32>
    %swap3A_1533 = arith.constant 0 : index
    %swap3A_1534 = arith.constant 205 : index
    %swap3A_1535 = vector.load %arg4[%swap3A_1533, %swap3A_1534] : memref<128x256xf32, #tpu.memory_space<vmem>>, vector<128x1xf32>
    tpu.vector_store %arg4[%swap3A_1533, %swap3A_1534], %add3A_1532 {strides = array<i32>} : memref<128x256xf32, #tpu.memory_space<vmem>>, vector<128x1xf32>,
    %get3A_1536 = arith.constant 0 : index
    %get3A_1537 = arith.constant 205 : index
    %get3A_1538 = vector.load %arg5[%get3A_1536, %get3A_1537] : memref<128x256xf32, #tpu.memory_space<vmem>>, vector<128x1xf32>
    %add3A_1539 = arith.addf %add3A_1531, %get3A_1538 : vector<128x1xf32>
    %add3A_1540 = arith.addf %add3A_1539, %add3A_913 : vector<128x1xf32>
    %swap3A_1541 = arith.constant 0 : index
    %swap3A_1542 = arith.constant 206 : index
    %swap3A_1543 = vector.load %arg4[%swap3A_1541, %swap3A_1542] : memref<128x256xf32, #tpu.memory_space<vmem>>, vector<128x1xf32>
    tpu.vector_store %arg4[%swap3A_1541, %swap3A_1542], %add3A_1540 {strides = array<i32>} : memref<128x256xf32, #tpu.memory_space<vmem>>, vector<128x1xf32>,
    %get3A_1544 = arith.constant 0 : index
    %get3A_1545 = arith.constant 206 : index
    %get3A_1546 = vector.load %arg5[%get3A_1544, %get3A_1545] : memref<128x256xf32, #tpu.memory_space<vmem>>, vector<128x1xf32>
    %add3A_1547 = arith.addf %add3A_1539, %get3A_1546 : vector<128x1xf32>
    %add3A_1548 = arith.addf %add3A_1547, %add3A_913 : vector<128x1xf32>
    %swap3A_1549 = arith.constant 0 : index
    %swap3A_1550 = arith.constant 207 : index
    %swap3A_1551 = vector.load %arg4[%swap3A_1549, %swap3A_1550] : memref<128x256xf32, #tpu.memory_space<vmem>>, vector<128x1xf32>
    tpu.vector_store %arg4[%swap3A_1549, %swap3A_1550], %add3A_1548 {strides = array<i32>} : memref<128x256xf32, #tpu.memory_space<vmem>>, vector<128x1xf32>,
    %get3A_1552 = arith.constant 0 : index
    %get3A_1553 = arith.constant 207 : index
    %get3A_1554 = vector.load %arg5[%get3A_1552, %get3A_1553] : memref<128x256xf32, #tpu.memory_space<vmem>>, vector<128x1xf32>
    %add3A_1555 = arith.addf %add3A_1547, %get3A_1554 : vector<128x1xf32>
    %add3A_1556 = arith.addf %add3A_1555, %add3A_913 : vector<128x1xf32>
    %swap3A_1557 = arith.constant 0 : index
    %swap3A_1558 = arith.constant 208 : index
    %swap3A_1559 = vector.load %arg4[%swap3A_1557, %swap3A_1558] : memref<128x256xf32, #tpu.memory_space<vmem>>, vector<128x1xf32>
    tpu.vector_store %arg4[%swap3A_1557, %swap3A_1558], %add3A_1556 {strides = array<i32>} : memref<128x256xf32, #tpu.memory_space<vmem>>, vector<128x1xf32>,
    %get3A_1560 = arith.constant 0 : index
    %get3A_1561 = arith.constant 208 : index
    %get3A_1562 = vector.load %arg5[%get3A_1560, %get3A_1561] : memref<128x256xf32, #tpu.memory_space<vmem>>, vector<128x1xf32>
    %add3A_1563 = arith.addf %add3A_1555, %get3A_1562 : vector<128x1xf32>
    %add3A_1564 = arith.addf %add3A_1563, %add3A_913 : vector<128x1xf32>
    %swap3A_1565 = arith.constant 0 : index
    %swap3A_1566 = arith.constant 209 : index
    %swap3A_1567 = vector.load %arg4[%swap3A_1565, %swap3A_1566] : memref<128x256xf32, #tpu.memory_space<vmem>>, vector<128x1xf32>
    tpu.vector_store %arg4[%swap3A_1565, %swap3A_1566], %add3A_1564 {strides = array<i32>} : memref<128x256xf32, #tpu.memory_space<vmem>>, vector<128x1xf32>,
    %get3A_1568 = arith.constant 0 : index
    %get3A_1569 = arith.constant 209 : index
    %get3A_1570 = vector.load %arg5[%get3A_1568, %get3A_1569] : memref<128x256xf32, #tpu.memory_space<vmem>>, vector<128x1xf32>
    %add3A_1571 = arith.addf %add3A_1563, %get3A_1570 : vector<128x1xf32>
    %add3A_1572 = arith.addf %add3A_1571, %add3A_913 : vector<128x1xf32>
    %swap3A_1573 = arith.constant 0 : index
    %swap3A_1574 = arith.constant 210 : index
    %swap3A_1575 = vector.load %arg4[%swap3A_1573, %swap3A_1574] : memref<128x256xf32, #tpu.memory_space<vmem>>, vector<128x1xf32>
    tpu.vector_store %arg4[%swap3A_1573, %swap3A_1574], %add3A_1572 {strides = array<i32>} : memref<128x256xf32, #tpu.memory_space<vmem>>, vector<128x1xf32>,
    %get3A_1576 = arith.constant 0 : index
    %get3A_1577 = arith.constant 210 : index
    %get3A_1578 = vector.load %arg5[%get3A_1576, %get3A_1577] : memref<128x256xf32, #tpu.memory_space<vmem>>, vector<128x1xf32>
    %add3A_1579 = arith.addf %add3A_1571, %get3A_1578 : vector<128x1xf32>
    %add3A_1580 = arith.addf %add3A_1579, %add3A_913 : vector<128x1xf32>
    %swap3A_1581 = arith.constant 0 : index
    %swap3A_1582 = arith.constant 211 : index
    %swap3A_1583 = vector.load %arg4[%swap3A_1581, %swap3A_1582] : memref<128x256xf32, #tpu.memory_space<vmem>>, vector<128x1xf32>
    tpu.vector_store %arg4[%swap3A_1581, %swap3A_1582], %add3A_1580 {strides = array<i32>} : memref<128x256xf32, #tpu.memory_space<vmem>>, vector<128x1xf32>,
    %get3A_1584 = arith.constant 0 : index
    %get3A_1585 = arith.constant 211 : index
    %get3A_1586 = vector.load %arg5[%get3A_1584, %get3A_1585] : memref<128x256xf32, #tpu.memory_space<vmem>>, vector<128x1xf32>
    %add3A_1587 = arith.addf %add3A_1579, %get3A_1586 : vector<128x1xf32>
    %add3A_1588 = arith.addf %add3A_1587, %add3A_913 : vector<128x1xf32>
    %swap3A_1589 = arith.constant 0 : index
    %swap3A_1590 = arith.constant 212 : index
    %swap3A_1591 = vector.load %arg4[%swap3A_1589, %swap3A_1590] : memref<128x256xf32, #tpu.memory_space<vmem>>, vector<128x1xf32>
    tpu.vector_store %arg4[%swap3A_1589, %swap3A_1590], %add3A_1588 {strides = array<i32>} : memref<128x256xf32, #tpu.memory_space<vmem>>, vector<128x1xf32>,
    %get3A_1592 = arith.constant 0 : index
    %get3A_1593 = arith.constant 212 : index
    %get3A_1594 = vector.load %arg5[%get3A_1592, %get3A_1593] : memref<128x256xf32, #tpu.memory_space<vmem>>, vector<128x1xf32>
    %add3A_1595 = arith.addf %add3A_1587, %get3A_1594 : vector<128x1xf32>
    %add3A_1596 = arith.addf %add3A_1595, %add3A_913 : vector<128x1xf32>
    %swap3A_1597 = arith.constant 0 : index
    %swap3A_1598 = arith.constant 213 : index
    %swap3A_1599 = vector.load %arg4[%swap3A_1597, %swap3A_1598] : memref<128x256xf32, #tpu.memory_space<vmem>>, vector<128x1xf32>
    tpu.vector_store %arg4[%swap3A_1597, %swap3A_1598], %add3A_1596 {strides = array<i32>} : memref<128x256xf32, #tpu.memory_space<vmem>>, vector<128x1xf32>,
    %get3A_1600 = arith.constant 0 : index
    %get3A_1601 = arith.constant 213 : index
    %get3A_1602 = vector.load %arg5[%get3A_1600, %get3A_1601] : memref<128x256xf32, #tpu.memory_space<vmem>>, vector<128x1xf32>
    %add3A_1603 = arith.addf %add3A_1595, %get3A_1602 : vector<128x1xf32>
    %add3A_1604 = arith.addf %add3A_1603, %add3A_913 : vector<128x1xf32>
    %swap3A_1605 = arith.constant 0 : index
    %swap3A_1606 = arith.constant 214 : index
    %swap3A_1607 = vector.load %arg4[%swap3A_1605, %swap3A_1606] : memref<128x256xf32, #tpu.memory_space<vmem>>, vector<128x1xf32>
    tpu.vector_store %arg4[%swap3A_1605, %swap3A_1606], %add3A_1604 {strides = array<i32>} : memref<128x256xf32, #tpu.memory_space<vmem>>, vector<128x1xf32>,
    %get3A_1608 = arith.constant 0 : index
    %get3A_1609 = arith.constant 214 : index
    %get3A_1610 = vector.load %arg5[%get3A_1608, %get3A_1609] : memref<128x256xf32, #tpu.memory_space<vmem>>, vector<128x1xf32>
    %add3A_1611 = arith.addf %add3A_1603, %get3A_1610 : vector<128x1xf32>
    %add3A_1612 = arith.addf %add3A_1611, %add3A_913 : vector<128x1xf32>
    %swap3A_1613 = arith.constant 0 : index
    %swap3A_1614 = arith.constant 215 : index
    %swap3A_1615 = vector.load %arg4[%swap3A_1613, %swap3A_1614] : memref<128x256xf32, #tpu.memory_space<vmem>>, vector<128x1xf32>
    tpu.vector_store %arg4[%swap3A_1613, %swap3A_1614], %add3A_1612 {strides = array<i32>} : memref<128x256xf32, #tpu.memory_space<vmem>>, vector<128x1xf32>,
    %get3A_1616 = arith.constant 0 : index
    %get3A_1617 = arith.constant 215 : index
    %get3A_1618 = vector.load %arg5[%get3A_1616, %get3A_1617] : memref<128x256xf32, #tpu.memory_space<vmem>>, vector<128x1xf32>
    %add3A_1619 = arith.addf %add3A_1611, %get3A_1618 : vector<128x1xf32>
    %add3A_1620 = arith.addf %add3A_1619, %add3A_913 : vector<128x1xf32>
    %swap3A_1621 = arith.constant 0 : index
    %swap3A_1622 = arith.constant 216 : index
    %swap3A_1623 = vector.load %arg4[%swap3A_1621, %swap3A_1622] : memref<128x256xf32, #tpu.memory_space<vmem>>, vector<128x1xf32>
    tpu.vector_store %arg4[%swap3A_1621, %swap3A_1622], %add3A_1620 {strides = array<i32>} : memref<128x256xf32, #tpu.memory_space<vmem>>, vector<128x1xf32>,
    %get3A_1624 = arith.constant 0 : index
    %get3A_1625 = arith.constant 216 : index
    %get3A_1626 = vector.load %arg5[%get3A_1624, %get3A_1625] : memref<128x256xf32, #tpu.memory_space<vmem>>, vector<128x1xf32>
    %add3A_1627 = arith.addf %add3A_1619, %get3A_1626 : vector<128x1xf32>
    %add3A_1628 = arith.addf %add3A_1627, %add3A_913 : vector<128x1xf32>
    %swap3A_1629 = arith.constant 0 : index
    %swap3A_1630 = arith.constant 217 : index
    %swap3A_1631 = vector.load %arg4[%swap3A_1629, %swap3A_1630] : memref<128x256xf32, #tpu.memory_space<vmem>>, vector<128x1xf32>
    tpu.vector_store %arg4[%swap3A_1629, %swap3A_1630], %add3A_1628 {strides = array<i32>} : memref<128x256xf32, #tpu.memory_space<vmem>>, vector<128x1xf32>,
    %get3A_1632 = arith.constant 0 : index
    %get3A_1633 = arith.constant 217 : index
    %get3A_1634 = vector.load %arg5[%get3A_1632, %get3A_1633] : memref<128x256xf32, #tpu.memory_space<vmem>>, vector<128x1xf32>
    %add3A_1635 = arith.addf %add3A_1627, %get3A_1634 : vector<128x1xf32>
    %add3A_1636 = arith.addf %add3A_1635, %add3A_913 : vector<128x1xf32>
    %swap3A_1637 = arith.constant 0 : index
    %swap3A_1638 = arith.constant 218 : index
    %swap3A_1639 = vector.load %arg4[%swap3A_1637, %swap3A_1638] : memref<128x256xf32, #tpu.memory_space<vmem>>, vector<128x1xf32>
    tpu.vector_store %arg4[%swap3A_1637, %swap3A_1638], %add3A_1636 {strides = array<i32>} : memref<128x256xf32, #tpu.memory_space<vmem>>, vector<128x1xf32>,
    %get3A_1640 = arith.constant 0 : index
    %get3A_1641 = arith.constant 218 : index
    %get3A_1642 = vector.load %arg5[%get3A_1640, %get3A_1641] : memref<128x256xf32, #tpu.memory_space<vmem>>, vector<128x1xf32>
    %add3A_1643 = arith.addf %add3A_1635, %get3A_1642 : vector<128x1xf32>
    %add3A_1644 = arith.addf %add3A_1643, %add3A_913 : vector<128x1xf32>
    %swap3A_1645 = arith.constant 0 : index
    %swap3A_1646 = arith.constant 219 : index
    %swap3A_1647 = vector.load %arg4[%swap3A_1645, %swap3A_1646] : memref<128x256xf32, #tpu.memory_space<vmem>>, vector<128x1xf32>
    tpu.vector_store %arg4[%swap3A_1645, %swap3A_1646], %add3A_1644 {strides = array<i32>} : memref<128x256xf32, #tpu.memory_space<vmem>>, vector<128x1xf32>,
    %get3A_1648 = arith.constant 0 : index
    %get3A_1649 = arith.constant 219 : index
    %get3A_1650 = vector.load %arg5[%get3A_1648, %get3A_1649] : memref<128x256xf32, #tpu.memory_space<vmem>>, vector<128x1xf32>
    %add3A_1651 = arith.addf %add3A_1643, %get3A_1650 : vector<128x1xf32>
    %add3A_1652 = arith.addf %add3A_1651, %add3A_913 : vector<128x1xf32>
    %swap3A_1653 = arith.constant 0 : index
    %swap3A_1654 = arith.constant 220 : index
    %swap3A_1655 = vector.load %arg4[%swap3A_1653, %swap3A_1654] : memref<128x256xf32, #tpu.memory_space<vmem>>, vector<128x1xf32>
    tpu.vector_store %arg4[%swap3A_1653, %swap3A_1654], %add3A_1652 {strides = array<i32>} : memref<128x256xf32, #tpu.memory_space<vmem>>, vector<128x1xf32>,
    %get3A_1656 = arith.constant 0 : index
    %get3A_1657 = arith.constant 220 : index
    %get3A_1658 = vector.load %arg5[%get3A_1656, %get3A_1657] : memref<128x256xf32, #tpu.memory_space<vmem>>, vector<128x1xf32>
    %add3A_1659 = arith.addf %add3A_1651, %get3A_1658 : vector<128x1xf32>
    %add3A_1660 = arith.addf %add3A_1659, %add3A_913 : vector<128x1xf32>
    %swap3A_1661 = arith.constant 0 : index
    %swap3A_1662 = arith.constant 221 : index
    %swap3A_1663 = vector.load %arg4[%swap3A_1661, %swap3A_1662] : memref<128x256xf32, #tpu.memory_space<vmem>>, vector<128x1xf32>
    tpu.vector_store %arg4[%swap3A_1661, %swap3A_1662], %add3A_1660 {strides = array<i32>} : memref<128x256xf32, #tpu.memory_space<vmem>>, vector<128x1xf32>,
    %get3A_1664 = arith.constant 0 : index
    %get3A_1665 = arith.constant 221 : index
    %get3A_1666 = vector.load %arg5[%get3A_1664, %get3A_1665] : memref<128x256xf32, #tpu.memory_space<vmem>>, vector<128x1xf32>
    %add3A_1667 = arith.addf %add3A_1659, %get3A_1666 : vector<128x1xf32>
    %add3A_1668 = arith.addf %add3A_1667, %add3A_913 : vector<128x1xf32>
    %swap3A_1669 = arith.constant 0 : index
    %swap3A_1670 = arith.constant 222 : index
    %swap3A_1671 = vector.load %arg4[%swap3A_1669, %swap3A_1670] : memref<128x256xf32, #tpu.memory_space<vmem>>, vector<128x1xf32>
    tpu.vector_store %arg4[%swap3A_1669, %swap3A_1670], %add3A_1668 {strides = array<i32>} : memref<128x256xf32, #tpu.memory_space<vmem>>, vector<128x1xf32>,
    %get3A_1672 = arith.constant 0 : index
    %get3A_1673 = arith.constant 222 : index
    %get3A_1674 = vector.load %arg5[%get3A_1672, %get3A_1673] : memref<128x256xf32, #tpu.memory_space<vmem>>, vector<128x1xf32>
    %add3A_1675 = arith.addf %add3A_1667, %get3A_1674 : vector<128x1xf32>
    %add3A_1676 = arith.addf %add3A_1675, %add3A_913 : vector<128x1xf32>
    %swap3A_1677 = arith.constant 0 : index
    %swap3A_1678 = arith.constant 223 : index
    %swap3A_1679 = vector.load %arg4[%swap3A_1677, %swap3A_1678] : memref<128x256xf32, #tpu.memory_space<vmem>>, vector<128x1xf32>
    tpu.vector_store %arg4[%swap3A_1677, %swap3A_1678], %add3A_1676 {strides = array<i32>} : memref<128x256xf32, #tpu.memory_space<vmem>>, vector<128x1xf32>,
    %get3A_1680 = arith.constant 0 : index
    %get3A_1681 = arith.constant 223 : index
    %get3A_1682 = vector.load %arg5[%get3A_1680, %get3A_1681] : memref<128x256xf32, #tpu.memory_space<vmem>>, vector<128x1xf32>
    %add3A_1683 = arith.addf %add3A_1675, %get3A_1682 : vector<128x1xf32>
    %add3A_1684 = arith.addf %add3A_1683, %add3A_913 : vector<128x1xf32>
    %swap3A_1685 = arith.constant 0 : index
    %swap3A_1686 = arith.constant 224 : index
    %swap3A_1687 = vector.load %arg4[%swap3A_1685, %swap3A_1686] : memref<128x256xf32, #tpu.memory_space<vmem>>, vector<128x1xf32>
    tpu.vector_store %arg4[%swap3A_1685, %swap3A_1686], %add3A_1684 {strides = array<i32>} : memref<128x256xf32, #tpu.memory_space<vmem>>, vector<128x1xf32>,
    %get3A_1688 = arith.constant 0 : index
    %get3A_1689 = arith.constant 224 : index
    %get3A_1690 = vector.load %arg5[%get3A_1688, %get3A_1689] : memref<128x256xf32, #tpu.memory_space<vmem>>, vector<128x1xf32>
    %add3A_1691 = arith.addf %add3A_1683, %get3A_1690 : vector<128x1xf32>
    %add3A_1692 = arith.addf %add3A_1691, %add3A_913 : vector<128x1xf32>
    %swap3A_1693 = arith.constant 0 : index
    %swap3A_1694 = arith.constant 225 : index
    %swap3A_1695 = vector.load %arg4[%swap3A_1693, %swap3A_1694] : memref<128x256xf32, #tpu.memory_space<vmem>>, vector<128x1xf32>
    tpu.vector_store %arg4[%swap3A_1693, %swap3A_1694], %add3A_1692 {strides = array<i32>} : memref<128x256xf32, #tpu.memory_space<vmem>>, vector<128x1xf32>,
    %get3A_1696 = arith.constant 0 : index
    %get3A_1697 = arith.constant 225 : index
    %get3A_1698 = vector.load %arg5[%get3A_1696, %get3A_1697] : memref<128x256xf32, #tpu.memory_space<vmem>>, vector<128x1xf32>
    %add3A_1699 = arith.addf %add3A_1691, %get3A_1698 : vector<128x1xf32>
    %add3A_1700 = arith.addf %add3A_1699, %add3A_913 : vector<128x1xf32>
    %swap3A_1701 = arith.constant 0 : index
    %swap3A_1702 = arith.constant 226 : index
    %swap3A_1703 = vector.load %arg4[%swap3A_1701, %swap3A_1702] : memref<128x256xf32, #tpu.memory_space<vmem>>, vector<128x1xf32>
    tpu.vector_store %arg4[%swap3A_1701, %swap3A_1702], %add3A_1700 {strides = array<i32>} : memref<128x256xf32, #tpu.memory_space<vmem>>, vector<128x1xf32>,
    %get3A_1704 = arith.constant 0 : index
    %get3A_1705 = arith.constant 226 : index
    %get3A_1706 = vector.load %arg5[%get3A_1704, %get3A_1705] : memref<128x256xf32, #tpu.memory_space<vmem>>, vector<128x1xf32>
    %add3A_1707 = arith.addf %add3A_1699, %get3A_1706 : vector<128x1xf32>
    %add3A_1708 = arith.addf %add3A_1707, %add3A_913 : vector<128x1xf32>
    %swap3A_1709 = arith.constant 0 : index
    %swap3A_1710 = arith.constant 227 : index
    %swap3A_1711 = vector.load %arg4[%swap3A_1709, %swap3A_1710] : memref<128x256xf32, #tpu.memory_space<vmem>>, vector<128x1xf32>
    tpu.vector_store %arg4[%swap3A_1709, %swap3A_1710], %add3A_1708 {strides = array<i32>} : memref<128x256xf32, #tpu.memory_space<vmem>>, vector<128x1xf32>,
    %get3A_1712 = arith.constant 0 : index
    %get3A_1713 = arith.constant 227 : index
    %get3A_1714 = vector.load %arg5[%get3A_1712, %get3A_1713] : memref<128x256xf32, #tpu.memory_space<vmem>>, vector<128x1xf32>
    %add3A_1715 = arith.addf %add3A_1707, %get3A_1714 : vector<128x1xf32>
    %add3A_1716 = arith.addf %add3A_1715, %add3A_913 : vector<128x1xf32>
    %swap3A_1717 = arith.constant 0 : index
    %swap3A_1718 = arith.constant 228 : index
    %swap3A_1719 = vector.load %arg4[%swap3A_1717, %swap3A_1718] : memref<128x256xf32, #tpu.memory_space<vmem>>, vector<128x1xf32>
    tpu.vector_store %arg4[%swap3A_1717, %swap3A_1718], %add3A_1716 {strides = array<i32>} : memref<128x256xf32, #tpu.memory_space<vmem>>, vector<128x1xf32>,
    %get3A_1720 = arith.constant 0 : index
    %get3A_1721 = arith.constant 228 : index
    %get3A_1722 = vector.load %arg5[%get3A_1720, %get3A_1721] : memref<128x256xf32, #tpu.memory_space<vmem>>, vector<128x1xf32>
    %add3A_1723 = arith.addf %add3A_1715, %get3A_1722 : vector<128x1xf32>
    %add3A_1724 = arith.addf %add3A_1723, %add3A_913 : vector<128x1xf32>
    %swap3A_1725 = arith.constant 0 : index
    %swap3A_1726 = arith.constant 229 : index
    %swap3A_1727 = vector.load %arg4[%swap3A_1725, %swap3A_1726] : memref<128x256xf32, #tpu.memory_space<vmem>>, vector<128x1xf32>
    tpu.vector_store %arg4[%swap3A_1725, %swap3A_1726], %add3A_1724 {strides = array<i32>} : memref<128x256xf32, #tpu.memory_space<vmem>>, vector<128x1xf32>,
    %get3A_1728 = arith.constant 0 : index
    %get3A_1729 = arith.constant 229 : index
    %get3A_1730 = vector.load %arg5[%get3A_1728, %get3A_1729] : memref<128x256xf32, #tpu.memory_space<vmem>>, vector<128x1xf32>
    %add3A_1731 = arith.addf %add3A_1723, %get3A_1730 : vector<128x1xf32>
    %add3A_1732 = arith.addf %add3A_1731, %add3A_913 : vector<128x1xf32>
    %swap3A_1733 = arith.constant 0 : index
    %swap3A_1734 = arith.constant 230 : index
    %swap3A_1735 = vector.load %arg4[%swap3A_1733, %swap3A_1734] : memref<128x256xf32, #tpu.memory_space<vmem>>, vector<128x1xf32>
    tpu.vector_store %arg4[%swap3A_1733, %swap3A_1734], %add3A_1732 {strides = array<i32>} : memref<128x256xf32, #tpu.memory_space<vmem>>, vector<128x1xf32>,
    %get3A_1736 = arith.constant 0 : index
    %get3A_1737 = arith.constant 230 : index
    %get3A_1738 = vector.load %arg5[%get3A_1736, %get3A_1737] : memref<128x256xf32, #tpu.memory_space<vmem>>, vector<128x1xf32>
    %add3A_1739 = arith.addf %add3A_1731, %get3A_1738 : vector<128x1xf32>
    %add3A_1740 = arith.addf %add3A_1739, %add3A_913 : vector<128x1xf32>
    %swap3A_1741 = arith.constant 0 : index
    %swap3A_1742 = arith.constant 231 : index
    %swap3A_1743 = vector.load %arg4[%swap3A_1741, %swap3A_1742] : memref<128x256xf32, #tpu.memory_space<vmem>>, vector<128x1xf32>
    tpu.vector_store %arg4[%swap3A_1741, %swap3A_1742], %add3A_1740 {strides = array<i32>} : memref<128x256xf32, #tpu.memory_space<vmem>>, vector<128x1xf32>,
    %get3A_1744 = arith.constant 0 : index
    %get3A_1745 = arith.constant 231 : index
    %get3A_1746 = vector.load %arg5[%get3A_1744, %get3A_1745] : memref<128x256xf32, #tpu.memory_space<vmem>>, vector<128x1xf32>
    %add3A_1747 = arith.addf %add3A_1739, %get3A_1746 : vector<128x1xf32>
    %add3A_1748 = arith.addf %add3A_1747, %add3A_913 : vector<128x1xf32>
    %swap3A_1749 = arith.constant 0 : index
    %swap3A_1750 = arith.constant 232 : index
    %swap3A_1751 = vector.load %arg4[%swap3A_1749, %swap3A_1750] : memref<128x256xf32, #tpu.memory_space<vmem>>, vector<128x1xf32>
    tpu.vector_store %arg4[%swap3A_1749, %swap3A_1750], %add3A_1748 {strides = array<i32>} : memref<128x256xf32, #tpu.memory_space<vmem>>, vector<128x1xf32>,
    %get3A_1752 = arith.constant 0 : index
    %get3A_1753 = arith.constant 232 : index
    %get3A_1754 = vector.load %arg5[%get3A_1752, %get3A_1753] : memref<128x256xf32, #tpu.memory_space<vmem>>, vector<128x1xf32>
    %add3A_1755 = arith.addf %add3A_1747, %get3A_1754 : vector<128x1xf32>
    %add3A_1756 = arith.addf %add3A_1755, %add3A_913 : vector<128x1xf32>
    %swap3A_1757 = arith.constant 0 : index
    %swap3A_1758 = arith.constant 233 : index
    %swap3A_1759 = vector.load %arg4[%swap3A_1757, %swap3A_1758] : memref<128x256xf32, #tpu.memory_space<vmem>>, vector<128x1xf32>
    tpu.vector_store %arg4[%swap3A_1757, %swap3A_1758], %add3A_1756 {strides = array<i32>} : memref<128x256xf32, #tpu.memory_space<vmem>>, vector<128x1xf32>,
    %get3A_1760 = arith.constant 0 : index
    %get3A_1761 = arith.constant 233 : index
    %get3A_1762 = vector.load %arg5[%get3A_1760, %get3A_1761] : memref<128x256xf32, #tpu.memory_space<vmem>>, vector<128x1xf32>
    %add3A_1763 = arith.addf %add3A_1755, %get3A_1762 : vector<128x1xf32>
    %add3A_1764 = arith.addf %add3A_1763, %add3A_913 : vector<128x1xf32>
    %swap3A_1765 = arith.constant 0 : index
    %swap3A_1766 = arith.constant 234 : index
    %swap3A_1767 = vector.load %arg4[%swap3A_1765, %swap3A_1766] : memref<128x256xf32, #tpu.memory_space<vmem>>, vector<128x1xf32>
    tpu.vector_store %arg4[%swap3A_1765, %swap3A_1766], %add3A_1764 {strides = array<i32>} : memref<128x256xf32, #tpu.memory_space<vmem>>, vector<128x1xf32>,
    %get3A_1768 = arith.constant 0 : index
    %get3A_1769 = arith.constant 234 : index
    %get3A_1770 = vector.load %arg5[%get3A_1768, %get3A_1769] : memref<128x256xf32, #tpu.memory_space<vmem>>, vector<128x1xf32>
    %add3A_1771 = arith.addf %add3A_1763, %get3A_1770 : vector<128x1xf32>
    %add3A_1772 = arith.addf %add3A_1771, %add3A_913 : vector<128x1xf32>
    %swap3A_1773 = arith.constant 0 : index
    %swap3A_1774 = arith.constant 235 : index
    %swap3A_1775 = vector.load %arg4[%swap3A_1773, %swap3A_1774] : memref<128x256xf32, #tpu.memory_space<vmem>>, vector<128x1xf32>
    tpu.vector_store %arg4[%swap3A_1773, %swap3A_1774], %add3A_1772 {strides = array<i32>} : memref<128x256xf32, #tpu.memory_space<vmem>>, vector<128x1xf32>,
    %get3A_1776 = arith.constant 0 : index
    %get3A_1777 = arith.constant 235 : index
    %get3A_1778 = vector.load %arg5[%get3A_1776, %get3A_1777] : memref<128x256xf32, #tpu.memory_space<vmem>>, vector<128x1xf32>
    %add3A_1779 = arith.addf %add3A_1771, %get3A_1778 : vector<128x1xf32>
    %add3A_1780 = arith.addf %add3A_1779, %add3A_913 : vector<128x1xf32>
    %swap3A_1781 = arith.constant 0 : index
    %swap3A_1782 = arith.constant 236 : index
    %swap3A_1783 = vector.load %arg4[%swap3A_1781, %swap3A_1782] : memref<128x256xf32, #tpu.memory_space<vmem>>, vector<128x1xf32>
    tpu.vector_store %arg4[%swap3A_1781, %swap3A_1782], %add3A_1780 {strides = array<i32>} : memref<128x256xf32, #tpu.memory_space<vmem>>, vector<128x1xf32>,
    %get3A_1784 = arith.constant 0 : index
    %get3A_1785 = arith.constant 236 : index
    %get3A_1786 = vector.load %arg5[%get3A_1784, %get3A_1785] : memref<128x256xf32, #tpu.memory_space<vmem>>, vector<128x1xf32>
    %add3A_1787 = arith.addf %add3A_1779, %get3A_1786 : vector<128x1xf32>
    %add3A_1788 = arith.addf %add3A_1787, %add3A_913 : vector<128x1xf32>
    %swap3A_1789 = arith.constant 0 : index
    %swap3A_1790 = arith.constant 237 : index
    %swap3A_1791 = vector.load %arg4[%swap3A_1789, %swap3A_1790] : memref<128x256xf32, #tpu.memory_space<vmem>>, vector<128x1xf32>
    tpu.vector_store %arg4[%swap3A_1789, %swap3A_1790], %add3A_1788 {strides = array<i32>} : memref<128x256xf32, #tpu.memory_space<vmem>>, vector<128x1xf32>,
    %get3A_1792 = arith.constant 0 : index
    %get3A_1793 = arith.constant 237 : index
    %get3A_1794 = vector.load %arg5[%get3A_1792, %get3A_1793] : memref<128x256xf32, #tpu.memory_space<vmem>>, vector<128x1xf32>
    %add3A_1795 = arith.addf %add3A_1787, %get3A_1794 : vector<128x1xf32>
    %add3A_1796 = arith.addf %add3A_1795, %add3A_913 : vector<128x1xf32>
    %swap3A_1797 = arith.constant 0 : index
    %swap3A_1798 = arith.constant 238 : index
    %swap3A_1799 = vector.load %arg4[%swap3A_1797, %swap3A_1798] : memref<128x256xf32, #tpu.memory_space<vmem>>, vector<128x1xf32>
    tpu.vector_store %arg4[%swap3A_1797, %swap3A_1798], %add3A_1796 {strides = array<i32>} : memref<128x256xf32, #tpu.memory_space<vmem>>, vector<128x1xf32>,
    %get3A_1800 = arith.constant 0 : index
    %get3A_1801 = arith.constant 238 : index
    %get3A_1802 = vector.load %arg5[%get3A_1800, %get3A_1801] : memref<128x256xf32, #tpu.memory_space<vmem>>, vector<128x1xf32>
    %add3A_1803 = arith.addf %add3A_1795, %get3A_1802 : vector<128x1xf32>
    %add3A_1804 = arith.addf %add3A_1803, %add3A_913 : vector<128x1xf32>
    %swap3A_1805 = arith.constant 0 : index
    %swap3A_1806 = arith.constant 239 : index
    %swap3A_1807 = vector.load %arg4[%swap3A_1805, %swap3A_1806] : memref<128x256xf32, #tpu.memory_space<vmem>>, vector<128x1xf32>
    tpu.vector_store %arg4[%swap3A_1805, %swap3A_1806], %add3A_1804 {strides = array<i32>} : memref<128x256xf32, #tpu.memory_space<vmem>>, vector<128x1xf32>,
    %get3A_1808 = arith.constant 0 : index
    %get3A_1809 = arith.constant 239 : index
    %get3A_1810 = vector.load %arg5[%get3A_1808, %get3A_1809] : memref<128x256xf32, #tpu.memory_space<vmem>>, vector<128x1xf32>
    %add3A_1811 = arith.addf %add3A_1803, %get3A_1810 : vector<128x1xf32>
    %add3A_1812 = arith.addf %add3A_1811, %add3A_913 : vector<128x1xf32>
    %swap3A_1813 = arith.constant 0 : index
    %swap3A_1814 = arith.constant 240 : index
    %swap3A_1815 = vector.load %arg4[%swap3A_1813, %swap3A_1814] : memref<128x256xf32, #tpu.memory_space<vmem>>, vector<128x1xf32>
    tpu.vector_store %arg4[%swap3A_1813, %swap3A_1814], %add3A_1812 {strides = array<i32>} : memref<128x256xf32, #tpu.memory_space<vmem>>, vector<128x1xf32>,
    %get3A_1816 = arith.constant 0 : index
    %get3A_1817 = arith.constant 240 : index
    %get3A_1818 = vector.load %arg5[%get3A_1816, %get3A_1817] : memref<128x256xf32, #tpu.memory_space<vmem>>, vector<128x1xf32>
    %add3A_1819 = arith.addf %add3A_1811, %get3A_1818 : vector<128x1xf32>
    %add3A_1820 = arith.addf %add3A_1819, %add3A_913 : vector<128x1xf32>
    %swap3A_1821 = arith.constant 0 : index
    %swap3A_1822 = arith.constant 241 : index
    %swap3A_1823 = vector.load %arg4[%swap3A_1821, %swap3A_1822] : memref<128x256xf32, #tpu.memory_space<vmem>>, vector<128x1xf32>
    tpu.vector_store %arg4[%swap3A_1821, %swap3A_1822], %add3A_1820 {strides = array<i32>} : memref<128x256xf32, #tpu.memory_space<vmem>>, vector<128x1xf32>,
    %get3A_1824 = arith.constant 0 : index
    %get3A_1825 = arith.constant 241 : index
    %get3A_1826 = vector.load %arg5[%get3A_1824, %get3A_1825] : memref<128x256xf32, #tpu.memory_space<vmem>>, vector<128x1xf32>
    %add3A_1827 = arith.addf %add3A_1819, %get3A_1826 : vector<128x1xf32>
    %add3A_1828 = arith.addf %add3A_1827, %add3A_913 : vector<128x1xf32>
    %swap3A_1829 = arith.constant 0 : index
    %swap3A_1830 = arith.constant 242 : index
    %swap3A_1831 = vector.load %arg4[%swap3A_1829, %swap3A_1830] : memref<128x256xf32, #tpu.memory_space<vmem>>, vector<128x1xf32>
    tpu.vector_store %arg4[%swap3A_1829, %swap3A_1830], %add3A_1828 {strides = array<i32>} : memref<128x256xf32, #tpu.memory_space<vmem>>, vector<128x1xf32>,
    %get3A_1832 = arith.constant 0 : index
    %get3A_1833 = arith.constant 242 : index
    %get3A_1834 = vector.load %arg5[%get3A_1832, %get3A_1833] : memref<128x256xf32, #tpu.memory_space<vmem>>, vector<128x1xf32>
    %add3A_1835 = arith.addf %add3A_1827, %get3A_1834 : vector<128x1xf32>
    %add3A_1836 = arith.addf %add3A_1835, %add3A_913 : vector<128x1xf32>
    %swap3A_1837 = arith.constant 0 : index
    %swap3A_1838 = arith.constant 243 : index
    %swap3A_1839 = vector.load %arg4[%swap3A_1837, %swap3A_1838] : memref<128x256xf32, #tpu.memory_space<vmem>>, vector<128x1xf32>
    tpu.vector_store %arg4[%swap3A_1837, %swap3A_1838], %add3A_1836 {strides = array<i32>} : memref<128x256xf32, #tpu.memory_space<vmem>>, vector<128x1xf32>,
    %get3A_1840 = arith.constant 0 : index
    %get3A_1841 = arith.constant 243 : index
    %get3A_1842 = vector.load %arg5[%get3A_1840, %get3A_1841] : memref<128x256xf32, #tpu.memory_space<vmem>>, vector<128x1xf32>
    %add3A_1843 = arith.addf %add3A_1835, %get3A_1842 : vector<128x1xf32>
    %add3A_1844 = arith.addf %add3A_1843, %add3A_913 : vector<128x1xf32>
    %swap3A_1845 = arith.constant 0 : index
    %swap3A_1846 = arith.constant 244 : index
    %swap3A_1847 = vector.load %arg4[%swap3A_1845, %swap3A_1846] : memref<128x256xf32, #tpu.memory_space<vmem>>, vector<128x1xf32>
    tpu.vector_store %arg4[%swap3A_1845, %swap3A_1846], %add3A_1844 {strides = array<i32>} : memref<128x256xf32, #tpu.memory_space<vmem>>, vector<128x1xf32>,
    %get3A_1848 = arith.constant 0 : index
    %get3A_1849 = arith.constant 244 : index
    %get3A_1850 = vector.load %arg5[%get3A_1848, %get3A_1849] : memref<128x256xf32, #tpu.memory_space<vmem>>, vector<128x1xf32>
    %add3A_1851 = arith.addf %add3A_1843, %get3A_1850 : vector<128x1xf32>
    %add3A_1852 = arith.addf %add3A_1851, %add3A_913 : vector<128x1xf32>
    %swap3A_1853 = arith.constant 0 : index
    %swap3A_1854 = arith.constant 245 : index
    %swap3A_1855 = vector.load %arg4[%swap3A_1853, %swap3A_1854] : memref<128x256xf32, #tpu.memory_space<vmem>>, vector<128x1xf32>
    tpu.vector_store %arg4[%swap3A_1853, %swap3A_1854], %add3A_1852 {strides = array<i32>} : memref<128x256xf32, #tpu.memory_space<vmem>>, vector<128x1xf32>,
    %get3A_1856 = arith.constant 0 : index
    %get3A_1857 = arith.constant 245 : index
    %get3A_1858 = vector.load %arg5[%get3A_1856, %get3A_1857] : memref<128x256xf32, #tpu.memory_space<vmem>>, vector<128x1xf32>
    %add3A_1859 = arith.addf %add3A_1851, %get3A_1858 : vector<128x1xf32>
    %add3A_1860 = arith.addf %add3A_1859, %add3A_913 : vector<128x1xf32>
    %swap3A_1861 = arith.constant 0 : index
    %swap3A_1862 = arith.constant 246 : index
    %swap3A_1863 = vector.load %arg4[%swap3A_1861, %swap3A_1862] : memref<128x256xf32, #tpu.memory_space<vmem>>, vector<128x1xf32>
    tpu.vector_store %arg4[%swap3A_1861, %swap3A_1862], %add3A_1860 {strides = array<i32>} : memref<128x256xf32, #tpu.memory_space<vmem>>, vector<128x1xf32>,
    %get3A_1864 = arith.constant 0 : index
    %get3A_1865 = arith.constant 246 : index
    %get3A_1866 = vector.load %arg5[%get3A_1864, %get3A_1865] : memref<128x256xf32, #tpu.memory_space<vmem>>, vector<128x1xf32>
    %add3A_1867 = arith.addf %add3A_1859, %get3A_1866 : vector<128x1xf32>
    %add3A_1868 = arith.addf %add3A_1867, %add3A_913 : vector<128x1xf32>
    %swap3A_1869 = arith.constant 0 : index
    %swap3A_1870 = arith.constant 247 : index
    %swap3A_1871 = vector.load %arg4[%swap3A_1869, %swap3A_1870] : memref<128x256xf32, #tpu.memory_space<vmem>>, vector<128x1xf32>
    tpu.vector_store %arg4[%swap3A_1869, %swap3A_1870], %add3A_1868 {strides = array<i32>} : memref<128x256xf32, #tpu.memory_space<vmem>>, vector<128x1xf32>,
    %get3A_1872 = arith.constant 0 : index
    %get3A_1873 = arith.constant 247 : index
    %get3A_1874 = vector.load %arg5[%get3A_1872, %get3A_1873] : memref<128x256xf32, #tpu.memory_space<vmem>>, vector<128x1xf32>
    %add3A_1875 = arith.addf %add3A_1867, %get3A_1874 : vector<128x1xf32>
    %add3A_1876 = arith.addf %add3A_1875, %add3A_913 : vector<128x1xf32>
    %swap3A_1877 = arith.constant 0 : index
    %swap3A_1878 = arith.constant 248 : index
    %swap3A_1879 = vector.load %arg4[%swap3A_1877, %swap3A_1878] : memref<128x256xf32, #tpu.memory_space<vmem>>, vector<128x1xf32>
    tpu.vector_store %arg4[%swap3A_1877, %swap3A_1878], %add3A_1876 {strides = array<i32>} : memref<128x256xf32, #tpu.memory_space<vmem>>, vector<128x1xf32>,
    %get3A_1880 = arith.constant 0 : index
    %get3A_1881 = arith.constant 248 : index
    %get3A_1882 = vector.load %arg5[%get3A_1880, %get3A_1881] : memref<128x256xf32, #tpu.memory_space<vmem>>, vector<128x1xf32>
    %add3A_1883 = arith.addf %add3A_1875, %get3A_1882 : vector<128x1xf32>
    %add3A_1884 = arith.addf %add3A_1883, %add3A_913 : vector<128x1xf32>
    %swap3A_1885 = arith.constant 0 : index
    %swap3A_1886 = arith.constant 249 : index
    %swap3A_1887 = vector.load %arg4[%swap3A_1885, %swap3A_1886] : memref<128x256xf32, #tpu.memory_space<vmem>>, vector<128x1xf32>
    tpu.vector_store %arg4[%swap3A_1885, %swap3A_1886], %add3A_1884 {strides = array<i32>} : memref<128x256xf32, #tpu.memory_space<vmem>>, vector<128x1xf32>,
    %broadcast_in_dim3A_1888 = arith.constant 0x7F800000 : f32
    %broadcast_in_dim3A_1889 = vector.broadcast %broadcast_in_dim3A_1888 : f32 to vector<128x6xf32>
    %swap3A_1890 = arith.constant 0 : index
    %swap3A_1891 = arith.constant 250 : index
    %swap3A_1892 = vector.load %arg4[%swap3A_1890, %swap3A_1891] : memref<128x256xf32, #tpu.memory_space<vmem>>, vector<128x6xf32>
    tpu.vector_store %arg4[%swap3A_1890, %swap3A_1891], %broadcast_in_dim3A_1889 {strides = array<i32>} : memref<128x256xf32, #tpu.memory_space<vmem>>, vector<128x6xf32>,
    %get3A_1893 = arith.constant 0 : index
    %get3A_1894 = arith.constant 0 : index
    %get3A_1895 = vector.load %arg1[%get3A_1893, %get3A_1894] : memref<128x1xf32, #tpu.memory_space<vmem>>, vector<128x1xf32>
    %get3A_1896 = arith.constant 0 : index
    %get3A_1897 = arith.constant 0 : index
    %get3A_1898 = vector.load %arg4[%get3A_1896, %get3A_1897] : memref<128x256xf32, #tpu.memory_space<vmem>>, vector<128x256xf32>
    %broadcast_in_dim3A_1899 = arith.constant 0 : i32
    %broadcast_in_dim3A_1900 = vector.broadcast %broadcast_in_dim3A_1899 : i32 to vector<128x256xi32>
    %scan3A_1901 = arith.constant 0 : i32
    %scan3A_1902 = arith.constant 128 : i32
    %scan3A_1903 = arith.addi %scan3A_1901, %scan3A_1902 : i32
    %scan3A_1904 = arith.constant 1 : i32
    %scan3A_1905 = scf.for %scan3A_1915 = %scan3A_1901 to %scan3A_1903 step %scan3A_1904 iter_args(%scan3A_1916 = %broadcast_in_dim3A_1900) -> (vector<128x256xi32>)  : i32 {
      %get3A_1917 = arith.index_cast %scan3A_1915 : i32 to index
      %get3A_1918 = arith.constant 0 : index
      %get3A_1919 = arith.constant 0 : index
      %get3A_1920 = vector.load %arg3[%get3A_1917, %get3A_1918, %get3A_1919] : memref<128x128x256xf32, #tpu.memory_space<vmem>>, vector<1x128x256xf32>
      %squeeze3A = vector.shape_cast %get3A_1920 : vector<1x128x256xf32> to vector<128x256xf32>
      %add3A_1921 = arith.addf %squeeze3A, %get3A_1898 : vector<128x256xf32>
      %lt3A = vector.broadcast %get3A_1895 : vector<128x1xf32> to vector<128x256xf32>
      %lt3A_1922 = arith.cmpf olt, %add3A_1921, %lt3A : vector<128x256xf32>
      %convert_element_type3A = arith.extui %lt3A_1922 : vector<128x256xi1> to vector<128x256xi32>
      %add3A_1923 = arith.addi %scan3A_1916, %convert_element_type3A : vector<128x256xi32>
      scf.yield %add3A_1923 : vector<128x256xi32>
    }
    %scan3A_1906 = arith.constant 128 : i32
    %reduce_sum3A = arith.constant dense<0> : vector<128xi32>
    %reduce_sum3A_1907 = vector.multi_reduction <add>, %scan3A_1905, %reduce_sum3A [1] : vector<128x256xi32> to vector<128xi32>
    %broadcast_in_dim3A_1908 = vector.shape_cast %reduce_sum3A_1907 : vector<128xi32> to vector<128x1xi32>
    %jit3A = arith.constant 0 : i32
    %jit3A_1909 = arith.constant 31999 : i32
    %max3A = vector.broadcast %jit3A : i32 to vector<128x1xi32>
    %max3A_1910 = arith.maxsi %max3A, %broadcast_in_dim3A_1908 : vector<128x1xi32>
    %min3A = vector.broadcast %jit3A_1909 : i32 to vector<128x1xi32>
    %min3A_1911 = arith.minsi %min3A, %max3A_1910 : vector<128x1xi32>
    %swap3A_1912 = arith.constant 0 : index
    %swap3A_1913 = arith.constant 0 : index
    %swap3A_1914 = vector.load %arg2[%swap3A_1912, %swap3A_1913] : memref<128x1xi32, #tpu.memory_space<vmem>>, vector<128x1xi32>
    tpu.vector_store %arg2[%swap3A_1912, %swap3A_1913], %min3A_1911 {strides = array<i32>} : memref<128x1xi32, #tpu.memory_space<vmem>>, vector<128x1xi32>,
    return
  }
}

</mosaic_0001>

<sc_bundles>
// kernel: gather_offload_async_start
scs
__scs_entry_jumppad:
0x0: {  	(pc) =	sbr.rel $0x88, $3  }
0x1: {  	(tag) =	ssettag $0x0;
	lr =	simm.s32 $0x1  }
0x2: {  	[smem:$0x3F9C] =	sst lr;
	_ =	strace $0xD0000000  }
0x3: {  	_ = 	snop  }
0x4: {  	_ = 	snop  }
0x5: {  	_ = 	snop  }
0x6: {  	_ = 	snop  }
0x7: {  	_ = 	snop  }
__scs_overlays_trampoline_lowered:
0x8: {  	[smem:$0x3FAB] =	sst s0  }
0x9: {  	[smem:$0x3FAC] =	sst s1  }
0xa: {  	[smem:$0x3FAD] =	sst s2  }
0xb: {  	[smem:$0x3FAE] =	sst s3  }
0xc: {  	[smem:$0x3FAF] =	sst s4  }
0xd: {  	[smem:$0x3FB0] =	sst s5  }
0xe: {  	[smem:$0x3FB1] =	sst s6  }
0xf: {  	[smem:$0x3FB2] =	sst s7  }
0x10: {  	[smem:$0x3FB3] =	sst s8  }
0x11: {  	[smem:$0x3FB4] =	sst s9;
	s0 =	simm.s32 @!p0 $0x0  }
0x12: {  	s1 =	sld [smem:$0x3F9A];
	s0 =	simm.s32 @p0 $0x1  }
0x13: {  	[smem:$0x3FB5] =	sst s0;
	s0 =	simm.s32 @!p1 $0x0  }
0x14: {  	s2 =	sld [smem:$0x3F99];
	s0 =	simm.s32 @p1 $0x1  }
0x15: {  	[smem:$0x3FB6] =	sst s0;
	s0 =	simm.s32 @!p2 $0x0  }
0x16: {  	s3 =	sld [smem:$0x3FDB];
	s0 =	simm.s32 @p2 $0x1  }
0x17: {  	s4 =	simm.s32 $0x1BF5;
	[smem:$0x3FB8] =	sst s0  }
0x18: {  	s0 =	sld [smem:$0x3F9B];
	_ =	swait.ge [sflag:s4], $0x0  }
0x19: {  	s7 =	sld [smem:$0x3F9C]  }
0x1a: {  	s8 =	sadd.s32 $0xFFFFE003, lr  }
0x1b: {  	s9 =	sadd.s32 $0xFFFFFEF7, lr;
	s5 =	simm.s32 $0xFFFFFFFF;
	p2 =	slt.u32 s8, $0xFFFFF086  }
0x1c: {  	p1 =	slt.u32 s9, $0xF7A;
	s5 =	simm.s32 @!p2 $0x0  }
0x1d: {  	s5 =	simm.s32 @p1 $0x1;
	p0 =	seq.s32 s7, s2  }
0x1e: {  	s7 =	smul.u32 @!p0 $0xF7A, s2;
	p2 =	seq.s32 @!p0 s5, $0x0  }
0x1f: {  	s9 =	smul.u32 $0xF7A, s1;
	s8 =	simm.s32 @!p0 $0x1BF5;
	p2 =	por !p2, p0  }
0x20: {  	[sflag:s8] =	ssyncset.s32 @!p0 $0xFFFFF086;
	s6 =	sadd.s32 @!p0 s3, s7;
	s7 =	simm.s32 @!p0 $0x108  }
0x21: {  	s3 =	sadd.s32 s3, s9;
	s6 =	sadd.s32 @!p0 $0x88, s6;
	s7 =	simm.s32 @p2 $0x1082  }
0x22: {  	[simem:s7], [sflag:s8] =	dma.local @!p0 [hbm:s6], $0xF7A  }
0x23: {  	s9 =	sor.u32 $0xD0000000, s2;
	s6 =	simm.s32 $0x108;
	_ =	swait.ge @!p0 [sflag:s8], $0x0  }
0x24: {  	s3 =	sadd.s32 $0x88, s3;
	s6 =	simm.s32 @!p1 $0x1082;
	[sflag:s4] =	ssyncset.s32 $0xFFFFF086  }
0x25: {  	[simem:s6], [sflag:s4] =	dma.local [hbm:s3], $0xF7A  }
0x26: {  	[smem:$0x3F9C] =	sst s1;
	(tag) =	ssettag s2;
	_ =	strace s9  }
0x27: {  	s1 =	sld [smem:$0x3FAC]  }
0x28: {  	s2 =	sld [smem:$0x3FAD]  }
0x29: {  	s4 =	sld [smem:$0x3FAF]  }
0x2a: {  	p0 =	seq.s32 s5, $0x0;
	s5 =	sld [smem:$0x3FB0]  }
0x2b: {  	s6 =	sld [smem:$0x3FB1]  }
0x2c: {  	s7 =	sld [smem:$0x3FB2]  }
0x2d: {  	s3 =	simm.s32 $0x108;
	s8 =	sld [smem:$0x3FB3]  }
0x2e: {  	s3 =	simm.s32 @!p0 $0x1082;
	s9 =	sld [smem:$0x3FB4]  }
0x2f: {  	lr =	sadd.s32 s0, s3;
	s0 =	sld [smem:$0x3FAB]  }
0x30: {  	s3 =	sld [smem:$0x3FAE]  }
0x31: {  	[smem:$0x3FB7] =	sst s10  }
0x32: {  	s10 =	sld [smem:$0x3FB5];
	_ =	sdelay $0x3  }
0x33: {  	p0 =	seq.s32 s10, $0x1;
	s10 =	sld [smem:$0x3FB7];
	_ =	sdelay $0x3  }
0x34: {  	[smem:$0x3FB7] =	sst s10  }
0x35: {  	s10 =	sld [smem:$0x3FB6];
	_ =	sdelay $0x3  }
0x36: {  	p1 =	seq.s32 s10, $0x1;
	s10 =	sld [smem:$0x3FB7];
	_ =	sdelay $0x3  }
0x37: {  	[smem:$0x3FB7] =	sst s10  }
0x38: {  	s10 =	sld [smem:$0x3FB8]  }
0x39: {  	_ = 	snop;
	(pc) =	sbr.ind lr, $3  }
0x3a: {  	_ = 	snop  }
0x3b: {  	_ = 	snop  }
0x3c: {  	p2 =	seq.s32 s10, $0x1;
	s10 =	sld [smem:$0x3FB7]  }
0x3d: {  	_ =	shalt  }
0x3e: {  	_ =	shalt  }
0x3f: {  	_ =	shalt  }
0x40: {  	_ =	shalt  }
0x41: {  	_ =	shalt  }
0x42: {  	_ =	shalt  }
0x43: {  	_ =	shalt  }
0x44: {  	_ =	shalt  }
0x45: {  	_ =	shalt  }
0x46: {  	_ =	shalt  }
0x47: {  	_ =	shalt  }
0x48: {  	_ =	shalt  }
0x49: {  	_ =	shalt  }
0x4a: {  	_ =	shalt  }
0x4b: {  	_ =	shalt  }
0x4c: {  	_ =	shalt  }
0x4d: {  	_ =	shalt  }
0x4e: {  	_ =	shalt  }
0x4f: {  	_ =	shalt  }
0x50: {  	_ =	shalt  }
0x51: {  	_ =	shalt  }
0x52: {  	_ =	shalt  }
0x53: {  	_ =	shalt  }
0x54: {  	_ =	shalt  }
0x55: {  	_ =	shalt  }
0x56: {  	_ =	shalt  }
0x57: {  	_ =	shalt  }
0x58: {  	_ =	shalt  }
0x59: {  	_ =	shalt  }
0x5a: {  	_ =	shalt  }
0x5b: {  	_ =	shalt  }
0x5c: {  	_ =	shalt  }
0x5d: {  	_ =	shalt  }
0x5e: {  	_ =	shalt  }
0x5f: {  	_ =	shalt  }
0x60: {  	_ =	shalt  }
0x61: {  	_ =	shalt  }
0x62: {  	_ =	shalt  }
0x63: {  	_ =	shalt  }
0x64: {  	_ =	shalt  }
0x65: {  	_ =	shalt  }
0x66: {  	_ =	shalt  }
0x67: {  	_ =	shalt  }
0x68: {  	_ =	shalt  }
0x69: {  	_ =	shalt  }
0x6a: {  	_ =	shalt  }
0x6b: {  	_ =	shalt  }
0x6c: {  	_ =	shalt  }
0x6d: {  	_ =	shalt  }
0x6e: {  	_ =	shalt  }
0x6f: {  	_ =	shalt  }
0x70: {  	_ =	shalt  }
0x71: {  	_ =	shalt  }
0x72: {  	_ =	shalt  }
0x73: {  	_ =	shalt  }
0x74: {  	_ =	shalt  }
0x75: {  	_ =	shalt  }
0x76: {  	_ =	shalt  }
0x77: {  	_ =	shalt  }
0x78: {  	_ =	shalt  }
0x79: {  	_ =	shalt  }
0x7a: {  	_ =	shalt  }
0x7b: {  	_ =	shalt  }
0x7c: {  	_ =	shalt  }
0x7d: {  	_ =	shalt  }
0x7e: {  	_ =	shalt  }
0x7f: {  	_ =	shalt  }
0x80: {  	_ =	shalt  }
0x81: {  	_ =	shalt  }
0x82: {  	_ =	shalt  }
0x83: {  	_ =	shalt  }
0x84: {  	_ =	shalt  }
0x85: {  	_ =	shalt  }
0x86: {  	_ =	shalt  }
0x87: {  	_ =	shalt  }
.Lfunc_end0:
.L_simem_size_0:
called_computation_lowered:
.L_overlay_start_0:
0x88: {  	s2 =	sld [smem:$0x3FD9]  }
0x89: {  	s3 =	sld [smem:$0x3FFE];
	_ =	sdelay $0x1  }
0x8a: {  	s1 =	srdreg.scid  }
0x8b: {  	s0 =	sand.u32 $0x1, s1  }
0x8c: {  	s14 =	sshll.u32 s0, $0xA;
	s2 =	sadd.s32 s3, s2  }
0x8d: {  	s2 =	sadd.s32 s2, s14  }
0x8e: {  	[smem:$0x3FC3] =	sst s2  }
0x8f: {  	_ = 	snop  }
0x90: {  	s2 =	sld [smem:$0x3FD0];
	_ =	sdelay $0x2  }
0x91: {  	s4 =	simm.s32 $0xA;
	s5 =	simm.s32 $0x10;
	s15 =	sld [smem:$0x3FC8]  }
0x92: {  	[smem:s5], [sflag:s4] =	dma.local [hbm:s2], $0x1  }
0x93: {  	_ =	swait.eq [sflag:s4], $0x1  }
0x94: {  	[sflag:s4] =	ssyncset.done $0x0  }
0x95: {  	[sflag:s4] =	ssyncadd.s32 $0xFFFFFFFF  }
0x96: {  	s16 =	sld [smem:$0x10];
	(tm) =	ssettm $0x1  }
0x97: {  	s17 =	sld [smem:$0x3FFB];
	_ =	sdelay $0x3  }
0x98: {  	_ =	strace s17  }
0x99: {  	s4 =	sld [smem:$0x3FFC];
	_ =	sdelay $0x3  }
0x9a: {  	_ =	strace s4  }
0x9b: {  	s4 =	sld [smem:$0x3FFD];
	_ =	sdelay $0x3  }
0x9c: {  	_ =	strace s4  }
0x9d: {  	_ =	strace $0x8FFFFFFF  }
0x9e: {  	s18 =	sld [smem:$0x3FDB];
	_ =	sdelay $0x1  }
0x9f: {  	s19 =	simm.s32 $_scs_section_size  }
0xa0: {  	s6 =	simm.s32 $_size__tile_overlayer_lowered;
	s7 =	simm.s32 $_tile_overlayer_lowered  }
0xa1: {  	s22 =	simm.s32 $0x1BFF;
	s21 =	sshll.u32 s7, $0x1;
	s4 =	sadd.s32 s19, s18  }
0xa2: {  	s8 =	simm.s32 $0x0;
	s20 =	sshll.u32 s6, $0x1;
	s6 =	sadd.s32 s21, s4  }
0xa3: {  	[timem:s8], [sflag:s22] =	dma.local [hbm:s6], s20  }
0xa4: {  	_ =	swait.ge [sflag:s22], s20  }
0xa5: {  	s5 =	ssub.s32 $0x0, s20;
	[sflag:s22] =	ssyncset.done $0x0  }
0xa6: {  	[sflag:s22] =	ssyncadd.s32 s5;
	_ =	sdelay $0x1  }
0xa7: {  	s23 =	simm.s32 $0x1B8B  }
0xa8: {  	_ =	swait.ge [sflag:s23], $0x1  }
0xa9: {  	[sflag:s23] =	ssyncset.done $0x0  }
0xaa: {  	s25 =	simm.s32 $0x1B8E;
	s24 =	sld [smem:$0x3FFE];
	[sflag:s23] =	ssyncadd.s32 $0xFFFFFFFF  }
0xab: {  	s26 =	simm.s32 $execute0_lowered;
	[smem:$0x3FD2] =	sst s25  }
0xac: {  	s6 =	sshll.u32 s26, $0x1;
	_ =	strace $0x80000046;
	[dreg:$0x1] =	wrdreg $0xFFFFFFFF  }
0xad: {  	s28 =	simm.s32 $_size_execute0_lowered;
	s4 =	sadd.s32 s4, s6;
	[dreg:$0x0] =	wrdreg $0x0  }
0xae: {  	s6 =	sshll.u32 s28, $0x1;
	[dreg:$0x2] =	wrdreg s4  }
0xaf: {  	[dreg:$0x3] =	wrdreg s6  }
0xb0: {  	[dreg:$0x4] =	wrdreg $0xC0  }
0xb1: {  	_ =	task [dreg:s8], $0x5FFFF  }
0xb2: {  	[dreg:$0x1] =	wrdreg $0xFFFFFFFF  }
0xb3: {  	[dreg:$0x0] =	wrdreg $0x60  }
0xb4: {  	[dreg:$0x2] =	wrdreg s15  }
0xb5: {  	[dreg:$0x3] =	wrdreg s16  }
0xb6: {  	[dreg:$0x4] =	wrdreg s24  }
0xb7: {  	[dreg:$0x5] =	wrdreg $0x9  }
0xb8: {  	_ =	task.clear_ibuf [dreg:s8], $0x6FFFF;
	_ =	strace $0x90000046  }
0xb9: {  	s29 =	simm.s32 $0x9;
	_ =	strace $0x80000048  }
0xba: {  	_ =	swait.ge [sflag:s29], $0x1  }
0xbb: {  	[sflag:s29] =	ssyncadd.s32 $0xFFFFFFFF  }
0xbc: {  	_ =	strace $0x90000048  }
0xbd: {  	_ =	sfence  }
0xbe: {  	s30 =	sld [smem:$0x0];
	_ =	sdelay $0x2  }
0xbf: {  	s31 =	sshll.u32 s1, $0xD;
	s1 =	sshrl.u32 s1, $0x2  }
0xc0: {  	s3 =	sand.u32 $0x4000, s31;
	s1 =	sadd.s32 s1, s30  }
0xc1: {  	s0 =	sor.u32 s3, s0;
	s1 =	sshll.u32 s1, $0x11  }
0xc2: {  	s0 =	sor.u32 s1, s0  }
0xc3: {  	s0 =	sadd.s32 $0x8F2B, s0  }
0xc4: {  	[sflag:s0] =	ssyncadd.remote.s32 $0x1  }
0xc5: {  	_ =	sfence.sel $0xFFFF  }
0xc6: {  	[dreg:$0x0] =	wrdreg $0xFFFFFFFF;
	(pc) =	sbr.abs _section_cstart, $3  }
0xc7: {  	[dreg:$0x1] =	wrdreg $0xFFFFFFFF  }
0xc8: {  	_ =	task.clear_ibuf [dreg:s8], $0x2FFFF;
	_ =	strace $0x9FFFFFFF  }
0xc9: {  	(tm) =	ssettm $0x7FFFFFFF  }
tec
execute0_lowered:
.L_overlay_start_1:
0x0: {  	(tag) =	ssettag $0x1  }
0x1: {  	s2 =	rddreg [dreg:$0x0]  }
0x2: {  	s3 =	rddreg [dreg:$0x1]  }
0x3: {  	s4 =	rddreg [dreg:$0x2]  }
0x4: {  	s0 =	rddreg [dreg:$0x3];
	s1 =	srdreg.scid  }
0x5: {  	_ =	strace $0x80000047;
	s5 =	simm.s32 $0x1;
	s6 =	sshll.u32 s1, $0x4  }
.Ltmp0:
0x6: {  	s1 =	stileid.u32;
	s6 =	sand.u32 $0x10, s6;
	(pc) =	sbr.rel .LBB2_1-.Ltmp0, $4  }
0x7: {  	s9 =	simm.s32 $0x3;
	s11 =	simm.s32 $0x0;
	s7 =	sor.u32 s1, s6  }
0x8: {  	[sflag:s5] =	ssyncpa.u1 $0x0;
	s6 =	simm.s32 $0x2;
	s7 =	sshll.u32 s7, $0x6  }
0x9: {  	p0 =	por $0x0, $0x0;
	[sflag:s6] =	ssyncpa.u1 $0x0;
	s8 =	sadd.s32 $0x40, s7  }
0xa: {  	vm0 =	vmmov $0xff;
	vm1 =	vcmask $0x3F20;
	[sflag:s9] =	ssyncpa.u1 $0x0;
	s10 =	smov.u32 s7;
	s9 =	simm.s32 $0x0  }
.LBB2_9:
0xb: {  	p1 =	slt.u32 s9, $0x2;
	s11 =	sadd.s32 $0x20, s10  }
0xc: {  	s13 =	smov.u32 s7;
	s9 =	sadd.s32 $0x1, s9;
	p2 =	slt.s32 s11, s8  }
0xd: {  	s13 =	smov.u32 @p2 s11;
	p2 =	sne.s32 s9, $0x4  }
.Ltmp1:
0xe: {  	_ = 	snop;
	(pc) =	sbr.rel @!p2 .LBB2_10-.Ltmp1, $4  }
0xf: {  	s12 =	simm.s32 @!p1 $0x3  }
0x10: {  	_ =	swait.ge @!p1 [sflag:s12], $0x8000  }
0x11: {  	p0 =	por !p0, !p0;
	[sflag:s12] =	ssyncset.done @!p1 $0x0  }
0x12: {  	s11 =	smov.u32 s10;
	s10 =	smov.u32 s13;
	[sflag:s12] =	ssyncadd.s32 @!p1 $0xFFFF8000  }
.LBB2_1:
0x13: {  	p1 =	sgt.u32 s9, $0x1  }
0x14: {  	s12 =	sshll.u32 @!p1 s9, $0x5;
	s13 =	sshrl.u32 @!p1 s10, $0x3  }
0x15: {  	s14 =	sand.u32 @!p1 $0x7, s10;
	s12 =	sxor.u32 @!p1 $0x20, s12;
	s13 =	sadd.s32 @!p1 s3, s13  }
0x16: {  	[tilespmem:s12], [sflag:$0x2] =	stream.linear.gather @!p1 [hbm4b:s13+s14], $0x20, $0x38;
	[tilespmem:$0x10040] =	vst v63  }
0x17: {  	p1 =	seq.s32 s9, $0x0  }
0x18: {  	p2 =	seq.s32 @!p1 s9, $0x3  }
0x19: {  	p1 =	por p1, p2  }
.Ltmp2:
0x1a: {  	_ = 	snop;
	(pc) =	sbr.rel @p1 .LBB2_9-.Ltmp2, $1  }
0x1b: {  	_ =	sdelay $0x3  }
0x1c: {  	s12 =	simm.s32 $0x1  }
0x1d: {  	_ =	swait.ge [sflag:s6], $0x20;
	s13 =	sand.u32 $0x1, s9;
	s12 =	simm.s32 @!p0 $0x0  }
0x1e: {  	s15 =	simm.s32 $0x0;
	p2 =	por $0x1, $0x1;
	s12 =	sshll.u32 s12, $0x11  }
0x1f: {  	[sflag:s6] =	ssyncset.done $0x0;
	s13 =	sshll.u32 s13, $0x5;
	s14 =	sshrl.u32 s12, $0x2  }
0x20: {  	[sflag:s6] =	ssyncadd.s32 $0xFFFFFFE0;
	s12 =	sor.u32 $0x40, s14;
	s14 =	sadd.s32 $0x40, s14  }
.LBB2_3:
0x21: {  	s16 =	sshll.u32 s15, $0x4  }
0x22: {  	s16 =	sand.u32 $0x3FFFFFF0, s16  }
0x23: {  	s16 =	sadd.s32 s16, s13  }
0x24: {  	v0 =	vld.msk [tilespmem:s16+$0x0 ss:$0x1], $0xffff;
	_ =	sdelay $0x4  }
0x25: {  	vm2 =	vgt.s32 v0, $0x0  }
0x26: {  	v0 =	vnsel vm2, $0x0, v0  }
0x27: {  	v0 =	vmin.u32 v0, $0x7CFF  }
0x28: {  	v1 =	vshll.u32 v0, $0x7;
	v0 =	vshll.u32 v0, $0x4  }
0x29: {  	v1 =	vand.u32 $0x3FFC00, v1;
	v0 =	vand.u32 $0x70, v0  }
0x2a: {  	v0 =	vor.u32 v0, v1  }
0x2b: {  	s31 =	sshll.u32 s15, $0x10  }
0x2c: {  	s15 =	sshra.s32 s31, $0x2  }
0x2d: {  	s15 =	sadd.s32 s15, s14  }
0x2e: {  	s17 =	sadd.s32 $0x0, s15  }
0x2f: {  	[tilespmem:s17], [sflag:$0x1] =	stream.indirect_vreg.gather [hbm:s2], $0x80, v0, vm0, $0x38;
	[tilespmem:$0x10040] =	vst v63  }
0x30: {  	p1 =	por p2, p2;
	s16 =	simm.s32 $0x1000;
	v1 =	vadd.s32 $0x80, v0;
	s17 =	sadd.s32 $0x2000, s17  }
.LBB2_4:
0x31: {  	[tilespmem:s17], [sflag:$0x1] =	stream.indirect_vreg.gather [hbm:s2], $0x80, v0, vm1, $0x38;
	[tilespmem:$0x10040] =	vst v63  }
0x32: {  	v0 =	vmov v1;
	s17 =	smov.u32 s16;
	p2 =	sne.s32 s16, $0x7000  }
.Ltmp3:
0x33: {  	s16 =	sadd.s32 $0x1000, s16;
	(pc) =	sbr.rel @p2 .LBB2_4-.Ltmp3, $4  }
0x34: {  	s17 =	sshra.s32 s17, $0x2  }
0x35: {  	s17 =	sadd.s32 s17, s15  }
0x36: {  	[tilespmem:s17], [sflag:$0x1] =	stream.indirect_vreg.gather [hbm:s2], $0x80, v1, vm0, $0x38;
	[tilespmem:$0x10040] =	vst v63  }
0x37: {  	s17 =	sadd.s32 $0x2000, s17;
	v1 =	vadd.s32 $0x80, v1  }
0x38: {  	_ = 	snop  }
.Ltmp4:
0x39: {  	_ = 	snop;
	(pc) =	sbr.rel @p1 .LBB2_3-.Ltmp4, $3  }
0x3a: {  	_ =	sdelay $0x1  }
0x3b: {  	[tilespmem:s17], [sflag:$0x1] =	stream.indirect_vreg.gather [hbm:s2], $0x80, v0, vm1, $0x38;
	[tilespmem:$0x10040] =	vst v63  }
0x3c: {  	s15 =	simm.s32 $0x1;
	p2 =	por $0x0, $0x0  }
0x3d: {  	s13 =	sshll.u32 s11, $0x7  }
0x3e: {  	s31 =	sshll.u32 s11, $0x4;
	s13 =	sand.u32 $0xFFFFFC00, s13  }
0x3f: {  	_ =	swait.ge [sflag:s5], $0x8000;
	s11 =	sand.u32 $0x70, s31;
	s13 =	sadd.s32 s13, s4  }
0x40: {  	s14 =	sadd.s32 $0x2000, s12;
	[sflag:s5] =	ssyncset.done $0x0;
	s11 =	sadd.s32 s11, s13  }
0x41: {  	[sflag:s5] =	ssyncadd.s32 $0xFFFF8000;
	s13 =	simm.s32 $0x400;
	s15 =	sadd.s32 $0x0, s11  }
.LBB2_7:
0x42: {  	[hbm:s15] =	stream.linear.scatter [tilespmem:s12], [sflag:$0x3], $0x2000, $0x38;
	[tilespmem:$0x10040] =	vst v63  }
0x43: {  	s15 =	smov.u32 s13;
	s12 =	smov.u32 s14;
	p1 =	sne.s32 s13, $0xC00  }
.Ltmp5:
0x44: {  	s13 =	sadd.s32 $0x400, s13;
	(pc) =	sbr.rel @p1 .LBB2_7-.Ltmp5, $2  }
0x45: {  	_ =	sdelay $0x2  }
0x46: {  	s14 =	sadd.s32 $0x2000, s14;
	s15 =	sadd.s32 s15, s11  }
.Ltmp6:
0x47: {  	(pc) =	sbr.rel .LBB2_9-.Ltmp6, $2  }
0x48: {  	_ =	sdelay $0x2  }
0x49: {  	[hbm:s15] =	stream.linear.scatter [tilespmem:s12], [sflag:$0x3], $0x2000, $0x38;
	[tilespmem:$0x10040] =	vst v63  }
.LBB2_10:
0x4a: {  	_ =	sfence.sel $0x180000  }
0x4b: {  	s2 =	simm.s32 $0x2;
	[bflag:$0x0] =	sbarrier.arrive $0xFFFF  }
0x4c: {  	s30 =	simm.s32 $0x3;
	[sflag:s2] =	ssyncpa.u1 $0x1  }
0x4d: {  	s31 =	simm.s32 $0x1;
	[sflag:s30] =	ssyncpa.u1 $0x1  }
0x4e: {  	[sflag:s31] =	ssyncpa.u1 $0x1  }
0x4f: {  	p0 =	sne.s32 s1, $0x0;
	_ =	strace $0x90000047  }
0x50: {  	s0 =	sadd.s32 @!p0 $0x100000, s0;
	[bflag:$0x2] =	sbarrier.arrive $0xFFFF  }
0x51: {  	[sflag:s0] =	ssyncadd.tile.s32 @!p0 $0x1;
	_ =	shalt  }
.Lfunc_end2:
_tile_overlayer_lowered:
.L_overlay_start_2:
0x52: {  	(tag) =	ssettag $0x2  }
0x53: {  	s0 =	rddreg [dreg:$0x0];
	s2 =	stileid.u32  }
0x54: {  	s1 =	rddreg [dreg:$0x1];
	p0 =	sne.s32 s2, $0x0  }
0x55: {  	s3 =	rddreg [dreg:$0x2];
	[bflag:$0x3] =	sbarrier.arrive $0xFFFF;
	s2 =	simm.s32 @!p0 $0x1C01  }
0x56: {  	[timem:s3], [sflag:s2] =	dma.local @!p0 [hbm:s0], s1  }
0x57: {  	s0 =	simm.s32 @!p0 $0x1  }
0x58: {  	_ =	swait.ge @!p0 [sflag:s0], s1  }
0x59: {  	s1 =	ssub.s32 @!p0 $0x0, s1;
	[sflag:s0] =	ssyncset.done @!p0 $0x0  }
0x5a: {  	[sflag:s0] =	ssyncadd.s32 @!p0 s1  }
0x5b: {  	[bflag:$0x3] =	sbarrier.arrive $0xFFFF  }
0x5c: {  	_ =	shalt  }

</sc_bundles>
